<compile_context>
chip_gen: v7x
topology: tpu7x:2x2x1
jax: 0.10.2.dev20260603
libtpu: 0.0.44.dev20260713+nightly
codegen_flags: <defaults>
</compile_context>

<pallas_src>
import functools

import jax
import jax.numpy as jnp
from jax import lax
from jax.experimental import pallas as pl
from jax.experimental.pallas import tpu as pltpu
from jax.experimental.pallas import tpu_sc as plsc

N = 10000
E = 320000
D_IN = 128
D_H = 256
N_CLS = 40
D2 = 64

NC = 2
NS = 16
NW = NC * NS
CH = 128
K = 80
E_PAD = NW * K * CH
N_PAD = 10240
STRIPE = N_PAD // NS
ZROWS = 16

_MESH = dict(core_axis_name="c", subcore_axis_name="s")


def _deg_pass():
    @functools.partial(
        pl.kernel,
        out_type=jax.ShapeDtypeStruct((2, NC, N_PAD), jnp.float32),
        mesh=plsc.VectorSubcoreMesh(**_MESH),
        scratch_types=[
            pltpu.VMEM((K, CH), jnp.int32),
            pltpu.VMEM((K, CH), jnp.int32),
            pltpu.VMEM((CH,), jnp.float32),
            pltpu.VMEM((STRIPE,), jnp.float32),
            pltpu.VMEM_SHARED((N_PAD,), jnp.float32),
            pltpu.VMEM_SHARED((N_PAD,), jnp.float32),
            pltpu.SemaphoreType.DMA,
            pltpu.SemaphoreType.DMA,
        ],
    )
    def deg_kernel(src3, dst3, out, sidx, didx, ones, zbuf, dego, degi, osem, isem):
        cid = lax.axis_index("c")
        sid = lax.axis_index("s")
        wid = cid * NS + sid
        pltpu.sync_copy(src3.at[wid], sidx)
        pltpu.sync_copy(dst3.at[wid], didx)

        @pl.loop(0, CH // 16)
        def _(i):
            ones[pl.ds(i * 16, 16)] = jnp.ones((16,), jnp.float32)

        @pl.loop(0, STRIPE // 16)
        def _(i):
            zbuf[pl.ds(i * 16, 16)] = jnp.zeros((16,), jnp.float32)

        pltpu.sync_copy(zbuf, dego.at[pl.ds(sid * STRIPE, STRIPE)])
        pltpu.sync_copy(zbuf, degi.at[pl.ds(sid * STRIPE, STRIPE)])
        plsc.subcore_barrier()

        @pl.loop(0, K)
        def _(j):
            pltpu.async_copy(ones, dego.at[sidx.at[j]], osem, add=True)
            pltpu.async_copy(ones, degi.at[didx.at[j]], isem, add=True)

        pltpu.make_async_copy(src3.at[wid], sidx, osem).wait()
        pltpu.make_async_copy(dst3.at[wid], didx, isem).wait()
        plsc.subcore_barrier()
        sl = pl.ds(sid * STRIPE, STRIPE)
        pltpu.sync_copy(dego.at[sl], out.at[0, cid, sl])
        pltpu.sync_copy(degi.at[sl], out.at[1, cid, sl])

    return deg_kernel


def _agg_pass(d, label):
    @functools.partial(
        pl.kernel,
        out_type=jax.ShapeDtypeStruct((NC, N_PAD, d), jnp.float32),
        mesh=plsc.VectorSubcoreMesh(**_MESH),
        scratch_types=[
            pltpu.VMEM((K, CH), jnp.int32),
            pltpu.VMEM((K, CH), jnp.int32),
            pltpu.VMEM((CH, d), jnp.float32),
            pltpu.VMEM((ZROWS, d), jnp.float32),
            pltpu.VMEM_SHARED((N_PAD, d), jnp.float32),
            pltpu.SemaphoreType.DMA,
            pltpu.SemaphoreType.DMA,
        ],
        name=label,
        compiler_params=pltpu.CompilerParams(use_tc_tiling_on_sc=False),
    )
    def agg_kernel(tbl, src3, dst3, out, sidx, didx, rows, zbuf, acc, gsem, ssem):
        cid = lax.axis_index("c")
        sid = lax.axis_index("s")
        wid = cid * NS + sid
        pltpu.sync_copy(src3.at[wid], sidx)
        pltpu.sync_copy(dst3.at[wid], didx)

        @pl.loop(0, ZROWS * d // 16)
        def _(i):
            zbuf[i // (d // 16), pl.ds((i % (d // 16)) * 16, 16)] = jnp.zeros(
                (16,), jnp.float32
            )

        @pl.loop(0, STRIPE // ZROWS)
        def _(t):
            pltpu.sync_copy(
                zbuf, acc.at[pl.ds(sid * STRIPE + t * ZROWS, ZROWS)]
            )

        plsc.subcore_barrier()

        @pl.loop(0, K)
        def _(j):
            pltpu.async_copy(tbl.at[sidx.at[j]], rows, gsem).wait()
            pltpu.async_copy(rows, acc.at[didx.at[j]], ssem, add=True).wait()

        plsc.subcore_barrier()
        sl = pl.ds(sid * STRIPE, STRIPE)
        pltpu.sync_copy(acc.at[sl], out.at[cid, sl])

    return agg_kernel


def _tc1(x_pad, degp4):
    R = 512
    grid = (N_PAD // R,)

    def body(dref, xref, xs_ref, ns_ref, nd_ref):
        do = dref[0, 0] + dref[0, 1]
        di = dref[1, 0] + dref[1, 1]
        ns = jnp.where(do > 0, lax.rsqrt(jnp.maximum(do, 1e-12)), 0.0)
        nd = jnp.where(di > 0, lax.rsqrt(jnp.maximum(di, 1e-12)), 0.0)
        ns_ref[...] = ns
        nd_ref[...] = nd
        xs_ref[...] = xref[...] * ns

    return pl.pallas_call(
        body,
        grid=grid,
        in_specs=[
            pl.BlockSpec((2, NC, R, 1), lambda i: (0, 0, i, 0)),
            pl.BlockSpec((R, D_IN), lambda i: (i, 0)),
        ],
        out_specs=[
            pl.BlockSpec((R, D_IN), lambda i: (i, 0)),
            pl.BlockSpec((R, 1), lambda i: (i, 0)),
            pl.BlockSpec((R, 1), lambda i: (i, 0)),
        ],
        out_shape=[
            jax.ShapeDtypeStruct((N_PAD, D_IN), jnp.float32),
            jax.ShapeDtypeStruct((N_PAD, 1), jnp.float32),
            jax.ShapeDtypeStruct((N_PAD, 1), jnp.float32),
        ],
    )(degp4, x_pad)


def _tc2(aggp, ndst, nsrc, W1, b1r, W2p):
    R = 512
    grid = (N_PAD // R,)

    def body(aref, ndref, nsref, w1ref, b1ref, w2ref, gref):
        a = (aref[0] + aref[1]) * ndref[...]
        h = jnp.dot(a, w1ref[...], preferred_element_type=jnp.float32)
        h = jnp.maximum(h + b1ref[...], 0.0)
        gref[...] = jnp.dot(
            h * nsref[...], w2ref[...], preferred_element_type=jnp.float32
        )

    return pl.pallas_call(
        body,
        grid=grid,
        in_specs=[
            pl.BlockSpec((NC, R, D_IN), lambda i: (0, i, 0)),
            pl.BlockSpec((R, 1), lambda i: (i, 0)),
            pl.BlockSpec((R, 1), lambda i: (i, 0)),
            pl.BlockSpec((D_IN, D_H), lambda i: (0, 0)),
            pl.BlockSpec((1, D_H), lambda i: (0, 0)),
            pl.BlockSpec((D_H, D2), lambda i: (0, 0)),
        ],
        out_specs=pl.BlockSpec((R, D2), lambda i: (i, 0)),
        out_shape=jax.ShapeDtypeStruct((N_PAD, D2), jnp.float32),
    )(aggp, ndst, nsrc, W1, b1r, W2p)


def _tc3(aggp2, ndst, b2r):
    R = 400
    grid = (N // R,)

    def body(aref, ndref, b2ref, oref):
        oref[...] = (aref[0] + aref[1]) * ndref[...] + b2ref[...]

    return pl.pallas_call(
        body,
        grid=grid,
        in_specs=[
            pl.BlockSpec((NC, R, D2), lambda i: (0, i, 0)),
            pl.BlockSpec((R, 1), lambda i: (i, 0)),
            pl.BlockSpec((1, D2), lambda i: (0, 0)),
        ],
        out_specs=pl.BlockSpec((R, D2), lambda i: (i, 0)),
        out_shape=jax.ShapeDtypeStruct((N, D2), jnp.float32),
    )(aggp2, ndst, b2r)


_DEG = _deg_pass()
_AGG128 = _agg_pass(D_IN, "agg128")
_AGG64 = _agg_pass(D2, "agg64")


def kernel(x, edge_index, W1, b1, W2, b2):
    src = edge_index[0]
    dst = edge_index[1]
    pad = jnp.full((E_PAD - E,), N_PAD - 1, jnp.int32)
    src3 = jnp.concatenate([src, pad]).reshape(NW, K, CH)
    dst3 = jnp.concatenate([dst, pad]).reshape(NW, K, CH)

    degp = _DEG(src3, dst3)
    x_pad = jnp.pad(x, ((0, N_PAD - N), (0, 0)))
    xs, nsrc, ndst = _tc1(x_pad, degp.reshape(2, NC, N_PAD, 1))

    agg1 = _AGG128(xs, src3, dst3)

    W2p = jnp.pad(W2, ((0, 0), (0, D2 - N_CLS)))
    g = _tc2(agg1, ndst, nsrc, W1, b1.reshape(1, D_H), W2p)

    agg2 = _AGG64(g, src3, dst3)

    b2r = jnp.pad(b2, (0, D2 - N_CLS)).reshape(1, D2)
    out64 = _tc3(agg2, ndst, b2r)
    return out64[:, :N_CLS]

# --- scband reference (transcript-rebuilt; emitter-appended) ---
"""Pipeline reference for scband-net-26740466385314 (READ-ONLY COPY).

The authoritative reference and input builder live on the scoring server;
editing this copy changes nothing except your own understanding.
"""

import jax, jax.numpy as jnp
import numpy as np

N = 10000
E = 320000
D_IN = 128
D_H = 256
N_CLS = 40


def setup_inputs(seed: int = 0) -> dict:
    key = jax.random.key(seed)
    k1, k2, k3, k4 = jax.random.split(key, 4)
    x = jax.random.normal(k1, (N, D_IN), dtype=jnp.float32)
    edge_index = jax.random.randint(k2, (2, E), 0, N, dtype=jnp.int32)
    W1 = jax.random.normal(k3, (D_IN, D_H), dtype=jnp.float32) * (1.0 / np.sqrt(D_IN))
    b1 = jnp.zeros((D_H,), dtype=jnp.float32)
    W2 = jax.random.normal(k4, (D_H, N_CLS), dtype=jnp.float32) * (1.0 / np.sqrt(D_H))
    b2 = jnp.zeros((N_CLS,), dtype=jnp.float32)
    return {"x": x, "edge_index": edge_index, "W1": W1, "b1": b1, "W2": W2, "b2": b2}


def _graph_conv(h, src, dst, norm_src, norm_dst, W, b):
    # DGL GraphConv with norm='both': D^{-1/2} A D^{-1/2} X W + b
    h = h * norm_src[:, None]
    h = h @ W
    msg = jnp.take(h, src, axis=0)
    agg = jax.ops.segment_sum(msg, dst, num_segments=N)
    agg = agg * norm_dst[:, None]
    return agg + b


def reference(x, edge_index, W1, b1, W2, b2):
    src = edge_index[0]
    dst = edge_index[1]
    ones = jnp.ones((src.shape[0],), dtype=jnp.float32)
    deg_out = jax.ops.segment_sum(ones, src, num_segments=N)
    deg_in = jax.ops.segment_sum(ones, dst, num_segments=N)
    norm_src = jnp.where(deg_out > 0, jax.lax.rsqrt(jnp.maximum(deg_out, 1e-12)), 0.0)
    norm_dst = jnp.where(deg_in > 0, jax.lax.rsqrt(jnp.maximum(deg_in, 1e-12)), 0.0)
    h = _graph_conv(x, src, dst, norm_src, norm_dst, W1, b1)
    h = jax.nn.relu(h)
    h = _graph_conv(h, src, dst, norm_src, norm_dst, W2, b2)
    return h

if __name__ == "__main__":
    import jax
    _d = setup_inputs()
    print(jax.jit(kernel)(*tuple(_d.values())))

</pallas_src>

<mosaic_0001>
#map = affine_map<(d0, d1) -> (0, 0)>
#map1 = affine_map<(d0, d1) -> (0, 0, 0)>
module attributes {stable_mosaic.version = 14 : i64} {
  func.func @agg64(%arg0: i32, %arg1: i32, %arg2: memref<10240x64xf32, #tpu.memory_space<hbm>>, %arg3: memref<32x80x128xi32, #tpu.memory_space<hbm>>, %arg4: memref<32x80x128xi32, #tpu.memory_space<hbm>>, %arg5: memref<2x10240x64xf32, #tpu.memory_space<hbm>>, %arg6: memref<80x128xi32, #tpu.memory_space<vmem>>, %arg7: memref<80x128xi32, #tpu.memory_space<vmem>>, %arg8: memref<128x64xf32, #tpu.memory_space<vmem>>, %arg9: memref<16x64xf32, #tpu.memory_space<vmem>>, %arg10: memref<10240x64xf32, #tpu.memory_space<vmem_shared>>, %arg11: memref<!tpu.dma_semaphore, #tpu.memory_space<semaphore_mem>>, %arg12: memref<!tpu.dma_semaphore, #tpu.memory_space<semaphore_mem>>) attributes {dimension_semantics = [#tpu.dimension_semantics<core_parallel>, #tpu.dimension_semantics<subcore_parallel>], iteration_bounds = array<i64: 2, 16>, scalar_prefetch = 0 : i64, scratch_operands = 7 : i64, tpu.core_type = #tpu.core_type<sc_vector_subcore>, window_params = [{transform_indices = #map}, {transform_indices = #map1}, {transform_indices = #map1}, {transform_indices = #map1}]} {
    %mul3A = arith.constant 16 : i32
    %mul3A_0 = arith.muli %arg0, %mul3A : i32
    %add3A = arith.addi %mul3A_0, %arg1 : i32
    "tpu.region"() ({
      %run_scoped3A = tpu.sem_alloc : memref<!tpu.dma_semaphore, #tpu.memory_space<semaphore_mem>>
      %dma_start3A = arith.constant 0 : i32
      %dma_start3A_18 = arith.constant 0 : i32
      %dma_start3A_19 = tpu.memref_slice %arg3[%add3A, %dma_start3A, %dma_start3A_18] : memref<32x80x128xi32, #tpu.memory_space<hbm>> -> memref<1x80x128xi32, #tpu.memory_space<hbm>>
      %dma_start3A_20 = tpu.memref_squeeze %dma_start3A_19 : memref<1x80x128xi32, #tpu.memory_space<hbm>> -> memref<80x128xi32, #tpu.memory_space<hbm>>
      %dma_start3A_21 = arith.constant 0 : i32
      %dma_start3A_22 = arith.constant 0 : i32
      %dma_start3A_23 = tpu.memref_slice %arg3[%add3A, %dma_start3A_21, %dma_start3A_22] : memref<32x80x128xi32, #tpu.memory_space<hbm>> -> memref<1x80x128xi32, #tpu.memory_space<hbm>>
      %dma_start3A_24 = tpu.memref_squeeze %dma_start3A_23 : memref<1x80x128xi32, #tpu.memory_space<hbm>> -> memref<80x128xi32, #tpu.memory_space<hbm>>
      tpu.enqueue_dma source(%dma_start3A_24 : memref<80x128xi32, #tpu.memory_space<hbm>>) target(%arg6 : memref<80x128xi32, #tpu.memory_space<vmem>>) target_semaphore(%run_scoped3A : memref<!tpu.dma_semaphore, #tpu.memory_space<semaphore_mem>>)
      %dma_wait3A = arith.constant 0 : i32
      %dma_wait3A_25 = arith.constant 0 : i32
      %dma_wait3A_26 = tpu.memref_slice %arg3[%add3A, %dma_wait3A, %dma_wait3A_25] : memref<32x80x128xi32, #tpu.memory_space<hbm>> -> memref<1x80x128xi32, #tpu.memory_space<hbm>>
      %dma_wait3A_27 = tpu.memref_squeeze %dma_wait3A_26 : memref<1x80x128xi32, #tpu.memory_space<hbm>> -> memref<80x128xi32, #tpu.memory_space<hbm>>
      %dma_wait3A_28 = arith.constant 0 : i32
      %dma_wait3A_29 = arith.constant 0 : i32
      %dma_wait3A_30 = tpu.memref_slice %arg3[%add3A, %dma_wait3A_28, %dma_wait3A_29] : memref<32x80x128xi32, #tpu.memory_space<hbm>> -> memref<1x80x128xi32, #tpu.memory_space<hbm>>
      %dma_wait3A_31 = tpu.memref_squeeze %dma_wait3A_30 : memref<1x80x128xi32, #tpu.memory_space<hbm>> -> memref<80x128xi32, #tpu.memory_space<hbm>>
      tpu.wait_dma2 semaphore(%run_scoped3A : memref<!tpu.dma_semaphore, #tpu.memory_space<semaphore_mem>>) src(%dma_wait3A_31 : memref<80x128xi32, #tpu.memory_space<hbm>>) dst(%arg6 : memref<80x128xi32, #tpu.memory_space<vmem>>)
      tpu.yield
    }) : () -> ()
    "tpu.region"() ({
      %run_scoped3A = tpu.sem_alloc : memref<!tpu.dma_semaphore, #tpu.memory_space<semaphore_mem>>
      %dma_start3A = arith.constant 0 : i32
      %dma_start3A_18 = arith.constant 0 : i32
      %dma_start3A_19 = tpu.memref_slice %arg4[%add3A, %dma_start3A, %dma_start3A_18] : memref<32x80x128xi32, #tpu.memory_space<hbm>> -> memref<1x80x128xi32, #tpu.memory_space<hbm>>
      %dma_start3A_20 = tpu.memref_squeeze %dma_start3A_19 : memref<1x80x128xi32, #tpu.memory_space<hbm>> -> memref<80x128xi32, #tpu.memory_space<hbm>>
      %dma_start3A_21 = arith.constant 0 : i32
      %dma_start3A_22 = arith.constant 0 : i32
      %dma_start3A_23 = tpu.memref_slice %arg4[%add3A, %dma_start3A_21, %dma_start3A_22] : memref<32x80x128xi32, #tpu.memory_space<hbm>> -> memref<1x80x128xi32, #tpu.memory_space<hbm>>
      %dma_start3A_24 = tpu.memref_squeeze %dma_start3A_23 : memref<1x80x128xi32, #tpu.memory_space<hbm>> -> memref<80x128xi32, #tpu.memory_space<hbm>>
      tpu.enqueue_dma source(%dma_start3A_24 : memref<80x128xi32, #tpu.memory_space<hbm>>) target(%arg7 : memref<80x128xi32, #tpu.memory_space<vmem>>) target_semaphore(%run_scoped3A : memref<!tpu.dma_semaphore, #tpu.memory_space<semaphore_mem>>)
      %dma_wait3A = arith.constant 0 : i32
      %dma_wait3A_25 = arith.constant 0 : i32
      %dma_wait3A_26 = tpu.memref_slice %arg4[%add3A, %dma_wait3A, %dma_wait3A_25] : memref<32x80x128xi32, #tpu.memory_space<hbm>> -> memref<1x80x128xi32, #tpu.memory_space<hbm>>
      %dma_wait3A_27 = tpu.memref_squeeze %dma_wait3A_26 : memref<1x80x128xi32, #tpu.memory_space<hbm>> -> memref<80x128xi32, #tpu.memory_space<hbm>>
      %dma_wait3A_28 = arith.constant 0 : i32
      %dma_wait3A_29 = arith.constant 0 : i32
      %dma_wait3A_30 = tpu.memref_slice %arg4[%add3A, %dma_wait3A_28, %dma_wait3A_29] : memref<32x80x128xi32, #tpu.memory_space<hbm>> -> memref<1x80x128xi32, #tpu.memory_space<hbm>>
      %dma_wait3A_31 = tpu.memref_squeeze %dma_wait3A_30 : memref<1x80x128xi32, #tpu.memory_space<hbm>> -> memref<80x128xi32, #tpu.memory_space<hbm>>
      tpu.wait_dma2 semaphore(%run_scoped3A : memref<!tpu.dma_semaphore, #tpu.memory_space<semaphore_mem>>) src(%dma_wait3A_31 : memref<80x128xi32, #tpu.memory_space<hbm>>) dst(%arg7 : memref<80x128xi32, #tpu.memory_space<vmem>>)
      tpu.yield
    }) : () -> ()
    %scan3A = arith.constant 0 : i32
    %scan3A_1 = arith.constant 64 : i32
    %scan3A_2 = arith.addi %scan3A, %scan3A_1 : i32
    %scan3A_3 = arith.constant 1 : i32
    scf.for %scan3A_18 = %scan3A to %scan3A_2 step %scan3A_3  : i32 {
      %mul3A_19 = arith.constant 1 : i32
      %mul3A_20 = arith.muli %scan3A_18, %mul3A_19 : i32
      %add3A_21 = arith.constant 0 : i32
      %add3A_22 = arith.addi %add3A_21, %mul3A_20 : i32
      %broadcast_in_dim3A = arith.constant 0.000000e+00 : f32
      %broadcast_in_dim3A_23 = vector.broadcast %broadcast_in_dim3A : f32 to vector<16xf32>
      %jit3A = arith.constant 4 : i32
      %div3A = arith.divsi %add3A_22, %jit3A : i32
      %sign3A = arith.constant 0 : i32
      %sign3A_24 = arith.cmpi sgt, %add3A_22, %sign3A : i32
      %sign3A_25 = arith.extui %sign3A_24 : i1 to i32
      %sign3A_26 = arith.constant 0 : i32
      %sign3A_27 = arith.cmpi slt, %add3A_22, %sign3A_26 : i32
      %sign3A_28 = arith.extui %sign3A_27 : i1 to i32
      %sign3A_29 = arith.subi %sign3A_25, %sign3A_28 : i32
      %sign3A_30 = arith.constant 0 : i32
      %sign3A_31 = arith.cmpi sgt, %jit3A, %sign3A_30 : i32
      %sign3A_32 = arith.extui %sign3A_31 : i1 to i32
      %sign3A_33 = arith.constant 0 : i32
      %sign3A_34 = arith.cmpi slt, %jit3A, %sign3A_33 : i32
      %sign3A_35 = arith.extui %sign3A_34 : i1 to i32
      %sign3A_36 = arith.subi %sign3A_32, %sign3A_35 : i32
      %ne3A = arith.cmpi ne, %sign3A_29, %sign3A_36 : i32
      %rem3A = arith.remsi %add3A_22, %jit3A : i32
      %ne3A_37 = arith.constant 0 : i32
      %ne3A_38 = arith.cmpi ne, %rem3A, %ne3A_37 : i32
      %and3A = arith.andi %ne3A, %ne3A_38 : i1
      %sub3A = arith.constant 1 : i32
      %sub3A_39 = arith.subi %div3A, %sub3A : i32
      %select_n3A = arith.select %and3A, %sub3A_39, %div3A : i32
      %jit3A_40 = arith.constant 4 : i32
      %eq3A = arith.constant 0 : i32
      %eq3A_41 = arith.cmpi eq, %jit3A_40, %eq3A : i32
      %jit3A_42 = arith.constant 1 : i32
      %select_n3A_43 = arith.select %eq3A_41, %jit3A_42, %jit3A_40 : i32
      %rem3A_44 = arith.remsi %add3A_22, %select_n3A_43 : i32
      %ne3A_45 = arith.constant 0 : i32
      %ne3A_46 = arith.cmpi ne, %rem3A_44, %ne3A_45 : i32
      %lt3A = arith.constant 0 : i32
      %lt3A_47 = arith.cmpi slt, %rem3A_44, %lt3A : i32
      %lt3A_48 = arith.constant 0 : i32
      %lt3A_49 = arith.cmpi slt, %select_n3A_43, %lt3A_48 : i32
      %ne3A_50 = arith.xori %lt3A_47, %lt3A_49 : i1
      %and3A_51 = arith.andi %ne3A_50, %ne3A_46 : i1
      %add3A_52 = arith.addi %rem3A_44, %select_n3A_43 : i32
      %select_n3A_53 = arith.select %and3A_51, %add3A_52, %rem3A_44 : i32
      %mul3A_54 = arith.constant 16 : i32
      %mul3A_55 = arith.muli %select_n3A_53, %mul3A_54 : i32
      %swap3A = arith.index_cast %select_n3A : i32 to index
      %swap3A_56 = arith.index_cast %mul3A_55 : i32 to index
      %swap3A_57 = tpu.vector_load %arg9[%swap3A, %swap3A_56] {strides = array<i32>} : memref<16x64xf32, #tpu.memory_space<vmem>>, vector<1x16xf32>,
      %swap3A_58 = vector.shape_cast %swap3A_57 : vector<1x16xf32> to vector<16xf32>
      %swap3A_59 = vector.shape_cast %broadcast_in_dim3A_23 : vector<16xf32> to vector<1x16xf32>
      tpu.vector_store %arg9[%swap3A, %swap3A_56], %swap3A_59 {strides = array<i32>} : memref<16x64xf32, #tpu.memory_space<vmem>>, vector<1x16xf32>,
    }
    %scan3A_4 = arith.constant 64 : i32
    %scan3A_5 = arith.constant 0 : i32
    %scan3A_6 = arith.constant 40 : i32
    %scan3A_7 = arith.addi %scan3A_5, %scan3A_6 : i32
    %scan3A_8 = arith.constant 1 : i32
    scf.for %scan3A_18 = %scan3A_5 to %scan3A_7 step %scan3A_8  : i32 {
      %mul3A_19 = arith.constant 1 : i32
      %mul3A_20 = arith.muli %scan3A_18, %mul3A_19 : i32
      %add3A_21 = arith.constant 0 : i32
      %add3A_22 = arith.addi %add3A_21, %mul3A_20 : i32
      %mul3A_23 = arith.constant 640 : i32
      %mul3A_24 = arith.muli %arg1, %mul3A_23 : i32
      %mul3A_25 = arith.constant 16 : i32
      %mul3A_26 = arith.muli %add3A_22, %mul3A_25 : i32
      %add3A_27 = arith.addi %mul3A_24, %mul3A_26 : i32
      "tpu.region"() ({
        %run_scoped3A = tpu.sem_alloc : memref<!tpu.dma_semaphore, #tpu.memory_space<semaphore_mem>>
        %dma_start3A = arith.constant 0 : i32
        %dma_start3A_28 = tpu.memref_slice %arg10[%add3A_27, %dma_start3A] : memref<10240x64xf32, #tpu.memory_space<vmem_shared>> -> memref<16x64xf32, #tpu.memory_space<vmem_shared>>
        %dma_start3A_29 = arith.constant 0 : i32
        %dma_start3A_30 = tpu.memref_slice %arg10[%add3A_27, %dma_start3A_29] : memref<10240x64xf32, #tpu.memory_space<vmem_shared>> -> memref<16x64xf32, #tpu.memory_space<vmem_shared>>
        tpu.enqueue_dma source(%arg9 : memref<16x64xf32, #tpu.memory_space<vmem>>) target(%dma_start3A_30 : memref<16x64xf32, #tpu.memory_space<vmem_shared>>) target_semaphore(%run_scoped3A : memref<!tpu.dma_semaphore, #tpu.memory_space<semaphore_mem>>)
        %dma_wait3A = arith.constant 0 : i32
        %dma_wait3A_31 = tpu.memref_slice %arg10[%add3A_27, %dma_wait3A] : memref<10240x64xf32, #tpu.memory_space<vmem_shared>> -> memref<16x64xf32, #tpu.memory_space<vmem_shared>>
        %dma_wait3A_32 = arith.constant 0 : i32
        %dma_wait3A_33 = tpu.memref_slice %arg10[%add3A_27, %dma_wait3A_32] : memref<10240x64xf32, #tpu.memory_space<vmem_shared>> -> memref<16x64xf32, #tpu.memory_space<vmem_shared>>
        tpu.wait_dma2 semaphore(%run_scoped3A : memref<!tpu.dma_semaphore, #tpu.memory_space<semaphore_mem>>) src(%arg9 : memref<16x64xf32, #tpu.memory_space<vmem>>) dst(%dma_wait3A_33 : memref<16x64xf32, #tpu.memory_space<vmem_shared>>)
        tpu.yield
      }) : () -> ()
    }
    %scan3A_9 = arith.constant 40 : i32
    %barrier3A = arith.constant 0 : index
    tpu.barrier barrier_id(%barrier3A)
    %scan3A_10 = arith.constant 0 : i32
    %scan3A_11 = arith.constant 80 : i32
    %scan3A_12 = arith.addi %scan3A_10, %scan3A_11 : i32
    %scan3A_13 = arith.constant 1 : i32
    scf.for %scan3A_18 = %scan3A_10 to %scan3A_12 step %scan3A_13  : i32 {
      %mul3A_19 = arith.constant 1 : i32
      %mul3A_20 = arith.muli %scan3A_18, %mul3A_19 : i32
      %add3A_21 = arith.constant 0 : i32
      %add3A_22 = arith.addi %add3A_21, %mul3A_20 : i32
      %dma_start3A = arith.constant 0 : i32
      %dma_start3A_23 = tpu.memref_slice %arg6[%add3A_22, %dma_start3A] : memref<80x128xi32, #tpu.memory_space<vmem>> -> memref<1x128xi32, #tpu.memory_space<vmem>>
      %dma_start3A_24 = tpu.memref_squeeze %dma_start3A_23 : memref<1x128xi32, #tpu.memory_space<vmem>> -> memref<128xi32, #tpu.memory_space<vmem>>
      %dma_start3A_25 = arith.constant 0 : i32
      %dma_start3A_26 = arith.constant 0 : i32
      %dma_start3A_27 = tpu.memref_slice %arg2[%dma_start3A_25, %dma_start3A_26] : memref<10240x64xf32, #tpu.memory_space<hbm>> -> memref<10240x64xf32, #tpu.memory_space<hbm>>
      tpu.enqueue_indirect_dma source(%dma_start3A_27 : memref<10240x64xf32, #tpu.memory_space<hbm>>) target(%arg8 : memref<128x64xf32, #tpu.memory_space<vmem>>) offsets(%dma_start3A_24 : memref<128xi32, #tpu.memory_space<vmem>>) semaphore(%arg11 : memref<!tpu.dma_semaphore, #tpu.memory_space<semaphore_mem>>)
      %dma_wait3A = arith.constant 0 : i32
      %dma_wait3A_28 = tpu.memref_slice %arg6[%add3A_22, %dma_wait3A] : memref<80x128xi32, #tpu.memory_space<vmem>> -> memref<1x128xi32, #tpu.memory_space<vmem>>
      %dma_wait3A_29 = tpu.memref_squeeze %dma_wait3A_28 : memref<1x128xi32, #tpu.memory_space<vmem>> -> memref<128xi32, #tpu.memory_space<vmem>>
      %dma_wait3A_30 = arith.constant 0 : i32
      %dma_wait3A_31 = arith.constant 0 : i32
      %dma_wait3A_32 = tpu.memref_slice %arg2[%dma_wait3A_30, %dma_wait3A_31] : memref<10240x64xf32, #tpu.memory_space<hbm>> -> memref<10240x64xf32, #tpu.memory_space<hbm>>
      tpu.wait_indirect_dma semaphore(%arg11 : memref<!tpu.dma_semaphore, #tpu.memory_space<semaphore_mem>>) src(%dma_wait3A_32 : memref<10240x64xf32, #tpu.memory_space<hbm>>) dst(%arg8 : memref<128x64xf32, #tpu.memory_space<vmem>>)
      %dma_start3A_33 = arith.constant 0 : i32
      %dma_start3A_34 = tpu.memref_slice %arg7[%add3A_22, %dma_start3A_33] : memref<80x128xi32, #tpu.memory_space<vmem>> -> memref<1x128xi32, #tpu.memory_space<vmem>>
      %dma_start3A_35 = tpu.memref_squeeze %dma_start3A_34 : memref<1x128xi32, #tpu.memory_space<vmem>> -> memref<128xi32, #tpu.memory_space<vmem>>
      %dma_start3A_36 = arith.constant 0 : i32
      %dma_start3A_37 = arith.constant 0 : i32
      %dma_start3A_38 = tpu.memref_slice %arg10[%dma_start3A_36, %dma_start3A_37] : memref<10240x64xf32, #tpu.memory_space<vmem_shared>> -> memref<10240x64xf32, #tpu.memory_space<vmem_shared>>
      tpu.enqueue_indirect_dma source(%arg8 : memref<128x64xf32, #tpu.memory_space<vmem>>) target(%dma_start3A_38 : memref<10240x64xf32, #tpu.memory_space<vmem_shared>>) offsets(%dma_start3A_35 : memref<128xi32, #tpu.memory_space<vmem>>) semaphore(%arg12 : memref<!tpu.dma_semaphore, #tpu.memory_space<semaphore_mem>>) {add = true}
      %dma_wait3A_39 = arith.constant 0 : i32
      %dma_wait3A_40 = tpu.memref_slice %arg7[%add3A_22, %dma_wait3A_39] : memref<80x128xi32, #tpu.memory_space<vmem>> -> memref<1x128xi32, #tpu.memory_space<vmem>>
      %dma_wait3A_41 = tpu.memref_squeeze %dma_wait3A_40 : memref<1x128xi32, #tpu.memory_space<vmem>> -> memref<128xi32, #tpu.memory_space<vmem>>
      %dma_wait3A_42 = arith.constant 0 : i32
      %dma_wait3A_43 = arith.constant 0 : i32
      %dma_wait3A_44 = tpu.memref_slice %arg10[%dma_wait3A_42, %dma_wait3A_43] : memref<10240x64xf32, #tpu.memory_space<vmem_shared>> -> memref<10240x64xf32, #tpu.memory_space<vmem_shared>>
      tpu.wait_indirect_dma semaphore(%arg12 : memref<!tpu.dma_semaphore, #tpu.memory_space<semaphore_mem>>) src(%arg8 : memref<128x64xf32, #tpu.memory_space<vmem>>) dst(%dma_wait3A_44 : memref<10240x64xf32, #tpu.memory_space<vmem_shared>>)
    }
    %scan3A_14 = arith.constant 80 : i32
    %barrier3A_15 = arith.constant 0 : index
    tpu.barrier barrier_id(%barrier3A_15)
    %mul3A_16 = arith.constant 640 : i32
    %mul3A_17 = arith.muli %arg1, %mul3A_16 : i32
    "tpu.region"() ({
      %run_scoped3A = tpu.sem_alloc : memref<!tpu.dma_semaphore, #tpu.memory_space<semaphore_mem>>
      %dma_start3A = arith.constant 0 : i32
      %dma_start3A_18 = tpu.memref_slice %arg5[%arg0, %mul3A_17, %dma_start3A] : memref<2x10240x64xf32, #tpu.memory_space<hbm>> -> memref<1x640x64xf32, #tpu.memory_space<hbm>>
      %dma_start3A_19 = tpu.memref_squeeze %dma_start3A_18 : memref<1x640x64xf32, #tpu.memory_space<hbm>> -> memref<640x64xf32, #tpu.memory_space<hbm>>
      %dma_start3A_20 = arith.constant 0 : i32
      %dma_start3A_21 = tpu.memref_slice %arg10[%mul3A_17, %dma_start3A_20] : memref<10240x64xf32, #tpu.memory_space<vmem_shared>> -> memref<640x64xf32, #tpu.memory_space<vmem_shared>>
      tpu.enqueue_dma source(%dma_start3A_21 : memref<640x64xf32, #tpu.memory_space<vmem_shared>>) target(%dma_start3A_19 : memref<640x64xf32, #tpu.memory_space<hbm>>) target_semaphore(%run_scoped3A : memref<!tpu.dma_semaphore, #tpu.memory_space<semaphore_mem>>)
      %dma_wait3A = arith.constant 0 : i32
      %dma_wait3A_22 = tpu.memref_slice %arg5[%arg0, %mul3A_17, %dma_wait3A] : memref<2x10240x64xf32, #tpu.memory_space<hbm>> -> memref<1x640x64xf32, #tpu.memory_space<hbm>>
      %dma_wait3A_23 = tpu.memref_squeeze %dma_wait3A_22 : memref<1x640x64xf32, #tpu.memory_space<hbm>> -> memref<640x64xf32, #tpu.memory_space<hbm>>
      %dma_wait3A_24 = arith.constant 0 : i32
      %dma_wait3A_25 = tpu.memref_slice %arg10[%mul3A_17, %dma_wait3A_24] : memref<10240x64xf32, #tpu.memory_space<vmem_shared>> -> memref<640x64xf32, #tpu.memory_space<vmem_shared>>
      tpu.wait_dma2 semaphore(%run_scoped3A : memref<!tpu.dma_semaphore, #tpu.memory_space<semaphore_mem>>) src(%dma_wait3A_25 : memref<640x64xf32, #tpu.memory_space<vmem_shared>>) dst(%dma_wait3A_23 : memref<640x64xf32, #tpu.memory_space<hbm>>)
      tpu.yield
    }) : () -> ()
    return
  }
}

#map = affine_map<(d0, d1) -> (0, 0, 0)>
module attributes {stable_mosaic.version = 14 : i64} {
  func.func @deg_kernel(%arg0: i32, %arg1: i32, %arg2: memref<32x80x128xi32, #tpu.memory_space<hbm>>, %arg3: memref<32x80x128xi32, #tpu.memory_space<hbm>>, %arg4: memref<2x2x10240xf32, #tpu.memory_space<hbm>>, %arg5: memref<80x128xi32, #tpu.memory_space<vmem>>, %arg6: memref<80x128xi32, #tpu.memory_space<vmem>>, %arg7: memref<128xf32, #tpu.memory_space<vmem>>, %arg8: memref<640xf32, #tpu.memory_space<vmem>>, %arg9: memref<10240xf32, #tpu.memory_space<vmem_shared>>, %arg10: memref<10240xf32, #tpu.memory_space<vmem_shared>>, %arg11: memref<!tpu.dma_semaphore, #tpu.memory_space<semaphore_mem>>, %arg12: memref<!tpu.dma_semaphore, #tpu.memory_space<semaphore_mem>>) attributes {dimension_semantics = [#tpu.dimension_semantics<core_parallel>, #tpu.dimension_semantics<subcore_parallel>], iteration_bounds = array<i64: 2, 16>, scalar_prefetch = 0 : i64, scratch_operands = 8 : i64, tpu.core_type = #tpu.core_type<sc_vector_subcore>, window_params = [{transform_indices = #map}, {transform_indices = #map}, {transform_indices = #map}]} {
    %mul3A = arith.constant 16 : i32
    %mul3A_0 = arith.muli %arg0, %mul3A : i32
    %add3A = arith.addi %mul3A_0, %arg1 : i32
    "tpu.region"() ({
      %run_scoped3A_38 = tpu.sem_alloc : memref<!tpu.dma_semaphore, #tpu.memory_space<semaphore_mem>>
      %dma_start3A = arith.constant 0 : i32
      %dma_start3A_39 = arith.constant 0 : i32
      %dma_start3A_40 = tpu.memref_slice %arg2[%add3A, %dma_start3A, %dma_start3A_39] : memref<32x80x128xi32, #tpu.memory_space<hbm>> -> memref<1x80x128xi32, #tpu.memory_space<hbm>>
      %dma_start3A_41 = tpu.memref_squeeze %dma_start3A_40 : memref<1x80x128xi32, #tpu.memory_space<hbm>> -> memref<80x128xi32, #tpu.memory_space<hbm>>
      %dma_start3A_42 = arith.constant 0 : i32
      %dma_start3A_43 = arith.constant 0 : i32
      %dma_start3A_44 = tpu.memref_slice %arg2[%add3A, %dma_start3A_42, %dma_start3A_43] : memref<32x80x128xi32, #tpu.memory_space<hbm>> -> memref<1x80x128xi32, #tpu.memory_space<hbm>>
      %dma_start3A_45 = tpu.memref_squeeze %dma_start3A_44 : memref<1x80x128xi32, #tpu.memory_space<hbm>> -> memref<80x128xi32, #tpu.memory_space<hbm>>
      tpu.enqueue_dma source(%dma_start3A_45 : memref<80x128xi32, #tpu.memory_space<hbm>>) target(%arg5 : memref<80x128xi32, #tpu.memory_space<vmem>>) target_semaphore(%run_scoped3A_38 : memref<!tpu.dma_semaphore, #tpu.memory_space<semaphore_mem>>)
      %dma_wait3A_46 = arith.constant 0 : i32
      %dma_wait3A_47 = arith.constant 0 : i32
      %dma_wait3A_48 = tpu.memref_slice %arg2[%add3A, %dma_wait3A_46, %dma_wait3A_47] : memref<32x80x128xi32, #tpu.memory_space<hbm>> -> memref<1x80x128xi32, #tpu.memory_space<hbm>>
      %dma_wait3A_49 = tpu.memref_squeeze %dma_wait3A_48 : memref<1x80x128xi32, #tpu.memory_space<hbm>> -> memref<80x128xi32, #tpu.memory_space<hbm>>
      %dma_wait3A_50 = arith.constant 0 : i32
      %dma_wait3A_51 = arith.constant 0 : i32
      %dma_wait3A_52 = tpu.memref_slice %arg2[%add3A, %dma_wait3A_50, %dma_wait3A_51] : memref<32x80x128xi32, #tpu.memory_space<hbm>> -> memref<1x80x128xi32, #tpu.memory_space<hbm>>
      %dma_wait3A_53 = tpu.memref_squeeze %dma_wait3A_52 : memref<1x80x128xi32, #tpu.memory_space<hbm>> -> memref<80x128xi32, #tpu.memory_space<hbm>>
      tpu.wait_dma2 semaphore(%run_scoped3A_38 : memref<!tpu.dma_semaphore, #tpu.memory_space<semaphore_mem>>) src(%dma_wait3A_53 : memref<80x128xi32, #tpu.memory_space<hbm>>) dst(%arg5 : memref<80x128xi32, #tpu.memory_space<vmem>>)
      tpu.yield
    }) : () -> ()
    "tpu.region"() ({
      %run_scoped3A_38 = tpu.sem_alloc : memref<!tpu.dma_semaphore, #tpu.memory_space<semaphore_mem>>
      %dma_start3A = arith.constant 0 : i32
      %dma_start3A_39 = arith.constant 0 : i32
      %dma_start3A_40 = tpu.memref_slice %arg3[%add3A, %dma_start3A, %dma_start3A_39] : memref<32x80x128xi32, #tpu.memory_space<hbm>> -> memref<1x80x128xi32, #tpu.memory_space<hbm>>
      %dma_start3A_41 = tpu.memref_squeeze %dma_start3A_40 : memref<1x80x128xi32, #tpu.memory_space<hbm>> -> memref<80x128xi32, #tpu.memory_space<hbm>>
      %dma_start3A_42 = arith.constant 0 : i32
      %dma_start3A_43 = arith.constant 0 : i32
      %dma_start3A_44 = tpu.memref_slice %arg3[%add3A, %dma_start3A_42, %dma_start3A_43] : memref<32x80x128xi32, #tpu.memory_space<hbm>> -> memref<1x80x128xi32, #tpu.memory_space<hbm>>
      %dma_start3A_45 = tpu.memref_squeeze %dma_start3A_44 : memref<1x80x128xi32, #tpu.memory_space<hbm>> -> memref<80x128xi32, #tpu.memory_space<hbm>>
      tpu.enqueue_dma source(%dma_start3A_45 : memref<80x128xi32, #tpu.memory_space<hbm>>) target(%arg6 : memref<80x128xi32, #tpu.memory_space<vmem>>) target_semaphore(%run_scoped3A_38 : memref<!tpu.dma_semaphore, #tpu.memory_space<semaphore_mem>>)
      %dma_wait3A_46 = arith.constant 0 : i32
      %dma_wait3A_47 = arith.constant 0 : i32
      %dma_wait3A_48 = tpu.memref_slice %arg3[%add3A, %dma_wait3A_46, %dma_wait3A_47] : memref<32x80x128xi32, #tpu.memory_space<hbm>> -> memref<1x80x128xi32, #tpu.memory_space<hbm>>
      %dma_wait3A_49 = tpu.memref_squeeze %dma_wait3A_48 : memref<1x80x128xi32, #tpu.memory_space<hbm>> -> memref<80x128xi32, #tpu.memory_space<hbm>>
      %dma_wait3A_50 = arith.constant 0 : i32
      %dma_wait3A_51 = arith.constant 0 : i32
      %dma_wait3A_52 = tpu.memref_slice %arg3[%add3A, %dma_wait3A_50, %dma_wait3A_51] : memref<32x80x128xi32, #tpu.memory_space<hbm>> -> memref<1x80x128xi32, #tpu.memory_space<hbm>>
      %dma_wait3A_53 = tpu.memref_squeeze %dma_wait3A_52 : memref<1x80x128xi32, #tpu.memory_space<hbm>> -> memref<80x128xi32, #tpu.memory_space<hbm>>
      tpu.wait_dma2 semaphore(%run_scoped3A_38 : memref<!tpu.dma_semaphore, #tpu.memory_space<semaphore_mem>>) src(%dma_wait3A_53 : memref<80x128xi32, #tpu.memory_space<hbm>>) dst(%arg6 : memref<80x128xi32, #tpu.memory_space<vmem>>)
      tpu.yield
    }) : () -> ()
    %scan3A = arith.constant 0 : i32
    %scan3A_1 = arith.constant 8 : i32
    %scan3A_2 = arith.addi %scan3A, %scan3A_1 : i32
    %scan3A_3 = arith.constant 1 : i32
    scf.for %scan3A_38 = %scan3A to %scan3A_2 step %scan3A_3  : i32 {
      %mul3A_39 = arith.constant 1 : i32
      %mul3A_40 = arith.muli %scan3A_38, %mul3A_39 : i32
      %add3A_41 = arith.constant 0 : i32
      %add3A_42 = arith.addi %add3A_41, %mul3A_40 : i32
      %broadcast_in_dim3A = arith.constant 1.000000e+00 : f32
      %broadcast_in_dim3A_43 = vector.broadcast %broadcast_in_dim3A : f32 to vector<16xf32>
      %mul3A_44 = arith.constant 16 : i32
      %mul3A_45 = arith.muli %add3A_42, %mul3A_44 : i32
      %swap3A = arith.index_cast %mul3A_45 : i32 to index
      %swap3A_46 = tpu.vector_load %arg7[%swap3A] {strides = array<i32>} : memref<128xf32, #tpu.memory_space<vmem>>, vector<16xf32>,
      %swap3A_47 = vector.shape_cast %swap3A_46 : vector<16xf32> to vector<16xf32>
      %swap3A_48 = vector.shape_cast %broadcast_in_dim3A_43 : vector<16xf32> to vector<16xf32>
      tpu.vector_store %arg7[%swap3A], %swap3A_48 {strides = array<i32>} : memref<128xf32, #tpu.memory_space<vmem>>, vector<16xf32>,
    }
    %scan3A_4 = arith.constant 8 : i32
    %scan3A_5 = arith.constant 0 : i32
    %scan3A_6 = arith.constant 40 : i32
    %scan3A_7 = arith.addi %scan3A_5, %scan3A_6 : i32
    %scan3A_8 = arith.constant 1 : i32
    scf.for %scan3A_38 = %scan3A_5 to %scan3A_7 step %scan3A_8  : i32 {
      %mul3A_39 = arith.constant 1 : i32
      %mul3A_40 = arith.muli %scan3A_38, %mul3A_39 : i32
      %add3A_41 = arith.constant 0 : i32
      %add3A_42 = arith.addi %add3A_41, %mul3A_40 : i32
      %broadcast_in_dim3A = arith.constant 0.000000e+00 : f32
      %broadcast_in_dim3A_43 = vector.broadcast %broadcast_in_dim3A : f32 to vector<16xf32>
      %mul3A_44 = arith.constant 16 : i32
      %mul3A_45 = arith.muli %add3A_42, %mul3A_44 : i32
      %swap3A = arith.index_cast %mul3A_45 : i32 to index
      %swap3A_46 = tpu.vector_load %arg8[%swap3A] {strides = array<i32>} : memref<640xf32, #tpu.memory_space<vmem>>, vector<16xf32>,
      %swap3A_47 = vector.shape_cast %swap3A_46 : vector<16xf32> to vector<16xf32>
      %swap3A_48 = vector.shape_cast %broadcast_in_dim3A_43 : vector<16xf32> to vector<16xf32>
      tpu.vector_store %arg8[%swap3A], %swap3A_48 {strides = array<i32>} : memref<640xf32, #tpu.memory_space<vmem>>, vector<16xf32>,
    }
    %scan3A_9 = arith.constant 40 : i32
    %mul3A_10 = arith.constant 640 : i32
    %mul3A_11 = arith.muli %arg1, %mul3A_10 : i32
    "tpu.region"() ({
      %run_scoped3A_38 = tpu.sem_alloc : memref<!tpu.dma_semaphore, #tpu.memory_space<semaphore_mem>>
      %dma_start3A = tpu.memref_slice %arg9[%mul3A_11] : memref<10240xf32, #tpu.memory_space<vmem_shared>> -> memref<640xf32, #tpu.memory_space<vmem_shared>>
      %dma_start3A_39 = tpu.memref_slice %arg9[%mul3A_11] : memref<10240xf32, #tpu.memory_space<vmem_shared>> -> memref<640xf32, #tpu.memory_space<vmem_shared>>
      tpu.enqueue_dma source(%arg8 : memref<640xf32, #tpu.memory_space<vmem>>) target(%dma_start3A_39 : memref<640xf32, #tpu.memory_space<vmem_shared>>) target_semaphore(%run_scoped3A_38 : memref<!tpu.dma_semaphore, #tpu.memory_space<semaphore_mem>>)
      %dma_wait3A_40 = tpu.memref_slice %arg9[%mul3A_11] : memref<10240xf32, #tpu.memory_space<vmem_shared>> -> memref<640xf32, #tpu.memory_space<vmem_shared>>
      %dma_wait3A_41 = tpu.memref_slice %arg9[%mul3A_11] : memref<10240xf32, #tpu.memory_space<vmem_shared>> -> memref<640xf32, #tpu.memory_space<vmem_shared>>
      tpu.wait_dma2 semaphore(%run_scoped3A_38 : memref<!tpu.dma_semaphore, #tpu.memory_space<semaphore_mem>>) src(%arg8 : memref<640xf32, #tpu.memory_space<vmem>>) dst(%dma_wait3A_41 : memref<640xf32, #tpu.memory_space<vmem_shared>>)
      tpu.yield
    }) : () -> ()
    %mul3A_12 = arith.constant 640 : i32
    %mul3A_13 = arith.muli %arg1, %mul3A_12 : i32
    "tpu.region"() ({
      %run_scoped3A_38 = tpu.sem_alloc : memref<!tpu.dma_semaphore, #tpu.memory_space<semaphore_mem>>
      %dma_start3A = tpu.memref_slice %arg10[%mul3A_13] : memref<10240xf32, #tpu.memory_space<vmem_shared>> -> memref<640xf32, #tpu.memory_space<vmem_shared>>
      %dma_start3A_39 = tpu.memref_slice %arg10[%mul3A_13] : memref<10240xf32, #tpu.memory_space<vmem_shared>> -> memref<640xf32, #tpu.memory_space<vmem_shared>>
      tpu.enqueue_dma source(%arg8 : memref<640xf32, #tpu.memory_space<vmem>>) target(%dma_start3A_39 : memref<640xf32, #tpu.memory_space<vmem_shared>>) target_semaphore(%run_scoped3A_38 : memref<!tpu.dma_semaphore, #tpu.memory_space<semaphore_mem>>)
      %dma_wait3A_40 = tpu.memref_slice %arg10[%mul3A_13] : memref<10240xf32, #tpu.memory_space<vmem_shared>> -> memref<640xf32, #tpu.memory_space<vmem_shared>>
      %dma_wait3A_41 = tpu.memref_slice %arg10[%mul3A_13] : memref<10240xf32, #tpu.memory_space<vmem_shared>> -> memref<640xf32, #tpu.memory_space<vmem_shared>>
      tpu.wait_dma2 semaphore(%run_scoped3A_38 : memref<!tpu.dma_semaphore, #tpu.memory_space<semaphore_mem>>) src(%arg8 : memref<640xf32, #tpu.memory_space<vmem>>) dst(%dma_wait3A_41 : memref<640xf32, #tpu.memory_space<vmem_shared>>)
      tpu.yield
    }) : () -> ()
    %barrier3A = arith.constant 0 : index
    tpu.barrier barrier_id(%barrier3A)
    %scan3A_14 = arith.constant 0 : i32
    %scan3A_15 = arith.constant 80 : i32
    %scan3A_16 = arith.addi %scan3A_14, %scan3A_15 : i32
    %scan3A_17 = arith.constant 1 : i32
    scf.for %scan3A_38 = %scan3A_14 to %scan3A_16 step %scan3A_17  : i32 {
      %mul3A_39 = arith.constant 1 : i32
      %mul3A_40 = arith.muli %scan3A_38, %mul3A_39 : i32
      %add3A_41 = arith.constant 0 : i32
      %add3A_42 = arith.addi %add3A_41, %mul3A_40 : i32
      %dma_start3A = arith.constant 0 : i32
      %dma_start3A_43 = tpu.memref_slice %arg5[%add3A_42, %dma_start3A] : memref<80x128xi32, #tpu.memory_space<vmem>> -> memref<1x128xi32, #tpu.memory_space<vmem>>
      %dma_start3A_44 = tpu.memref_squeeze %dma_start3A_43 : memref<1x128xi32, #tpu.memory_space<vmem>> -> memref<128xi32, #tpu.memory_space<vmem>>
      %dma_start3A_45 = arith.constant 0 : i32
      %dma_start3A_46 = tpu.memref_slice %arg9[%dma_start3A_45] : memref<10240xf32, #tpu.memory_space<vmem_shared>> -> memref<10240xf32, #tpu.memory_space<vmem_shared>>
      tpu.enqueue_indirect_dma source(%arg7 : memref<128xf32, #tpu.memory_space<vmem>>) target(%dma_start3A_46 : memref<10240xf32, #tpu.memory_space<vmem_shared>>) offsets(%dma_start3A_44 : memref<128xi32, #tpu.memory_space<vmem>>) semaphore(%arg11 : memref<!tpu.dma_semaphore, #tpu.memory_space<semaphore_mem>>) {add = true}
      %dma_start3A_47 = arith.constant 0 : i32
      %dma_start3A_48 = tpu.memref_slice %arg6[%add3A_42, %dma_start3A_47] : memref<80x128xi32, #tpu.memory_space<vmem>> -> memref<1x128xi32, #tpu.memory_space<vmem>>
      %dma_start3A_49 = tpu.memref_squeeze %dma_start3A_48 : memref<1x128xi32, #tpu.memory_space<vmem>> -> memref<128xi32, #tpu.memory_space<vmem>>
      %dma_start3A_50 = arith.constant 0 : i32
      %dma_start3A_51 = tpu.memref_slice %arg10[%dma_start3A_50] : memref<10240xf32, #tpu.memory_space<vmem_shared>> -> memref<10240xf32, #tpu.memory_space<vmem_shared>>
      tpu.enqueue_indirect_dma source(%arg7 : memref<128xf32, #tpu.memory_space<vmem>>) target(%dma_start3A_51 : memref<10240xf32, #tpu.memory_space<vmem_shared>>) offsets(%dma_start3A_49 : memref<128xi32, #tpu.memory_space<vmem>>) semaphore(%arg12 : memref<!tpu.dma_semaphore, #tpu.memory_space<semaphore_mem>>) {add = true}
    }
    %scan3A_18 = arith.constant 80 : i32
    %dma_wait3A = arith.constant 0 : i32
    %dma_wait3A_19 = arith.constant 0 : i32
    %dma_wait3A_20 = tpu.memref_slice %arg2[%add3A, %dma_wait3A, %dma_wait3A_19] : memref<32x80x128xi32, #tpu.memory_space<hbm>> -> memref<1x80x128xi32, #tpu.memory_space<hbm>>
    %dma_wait3A_21 = tpu.memref_squeeze %dma_wait3A_20 : memref<1x80x128xi32, #tpu.memory_space<hbm>> -> memref<80x128xi32, #tpu.memory_space<hbm>>
    %dma_wait3A_22 = arith.constant 0 : i32
    %dma_wait3A_23 = arith.constant 0 : i32
    %dma_wait3A_24 = tpu.memref_slice %arg2[%add3A, %dma_wait3A_22, %dma_wait3A_23] : memref<32x80x128xi32, #tpu.memory_space<hbm>> -> memref<1x80x128xi32, #tpu.memory_space<hbm>>
    %dma_wait3A_25 = tpu.memref_squeeze %dma_wait3A_24 : memref<1x80x128xi32, #tpu.memory_space<hbm>> -> memref<80x128xi32, #tpu.memory_space<hbm>>
    tpu.wait_dma2 semaphore(%arg11 : memref<!tpu.dma_semaphore, #tpu.memory_space<semaphore_mem>>) src(%dma_wait3A_25 : memref<80x128xi32, #tpu.memory_space<hbm>>) dst(%arg5 : memref<80x128xi32, #tpu.memory_space<vmem>>)
    %dma_wait3A_26 = arith.constant 0 : i32
    %dma_wait3A_27 = arith.constant 0 : i32
    %dma_wait3A_28 = tpu.memref_slice %arg3[%add3A, %dma_wait3A_26, %dma_wait3A_27] : memref<32x80x128xi32, #tpu.memory_space<hbm>> -> memref<1x80x128xi32, #tpu.memory_space<hbm>>
    %dma_wait3A_29 = tpu.memref_squeeze %dma_wait3A_28 : memref<1x80x128xi32, #tpu.memory_space<hbm>> -> memref<80x128xi32, #tpu.memory_space<hbm>>
    %dma_wait3A_30 = arith.constant 0 : i32
    %dma_wait3A_31 = arith.constant 0 : i32
    %dma_wait3A_32 = tpu.memref_slice %arg3[%add3A, %dma_wait3A_30, %dma_wait3A_31] : memref<32x80x128xi32, #tpu.memory_space<hbm>> -> memref<1x80x128xi32, #tpu.memory_space<hbm>>
    %dma_wait3A_33 = tpu.memref_squeeze %dma_wait3A_32 : memref<1x80x128xi32, #tpu.memory_space<hbm>> -> memref<80x128xi32, #tpu.memory_space<hbm>>
    tpu.wait_dma2 semaphore(%arg12 : memref<!tpu.dma_semaphore, #tpu.memory_space<semaphore_mem>>) src(%dma_wait3A_33 : memref<80x128xi32, #tpu.memory_space<hbm>>) dst(%arg6 : memref<80x128xi32, #tpu.memory_space<vmem>>)
    %barrier3A_34 = arith.constant 0 : index
    tpu.barrier barrier_id(%barrier3A_34)
    %mul3A_35 = arith.constant 640 : i32
    %mul3A_36 = arith.muli %arg1, %mul3A_35 : i32
    %run_scoped3A = arith.constant 0 : i32
    "tpu.region"() ({
      %run_scoped3A_38 = tpu.sem_alloc : memref<!tpu.dma_semaphore, #tpu.memory_space<semaphore_mem>>
      %dma_start3A = tpu.memref_slice %arg4[%run_scoped3A, %arg0, %mul3A_36] : memref<2x2x10240xf32, #tpu.memory_space<hbm>> -> memref<1x1x640xf32, #tpu.memory_space<hbm>>
      %dma_start3A_39 = tpu.memref_squeeze %dma_start3A : memref<1x1x640xf32, #tpu.memory_space<hbm>> -> memref<640xf32, #tpu.memory_space<hbm>>
      %dma_start3A_40 = tpu.memref_slice %arg9[%mul3A_36] : memref<10240xf32, #tpu.memory_space<vmem_shared>> -> memref<640xf32, #tpu.memory_space<vmem_shared>>
      tpu.enqueue_dma source(%dma_start3A_40 : memref<640xf32, #tpu.memory_space<vmem_shared>>) target(%dma_start3A_39 : memref<640xf32, #tpu.memory_space<hbm>>) target_semaphore(%run_scoped3A_38 : memref<!tpu.dma_semaphore, #tpu.memory_space<semaphore_mem>>)
      %dma_wait3A_41 = tpu.memref_slice %arg4[%run_scoped3A, %arg0, %mul3A_36] : memref<2x2x10240xf32, #tpu.memory_space<hbm>> -> memref<1x1x640xf32, #tpu.memory_space<hbm>>
      %dma_wait3A_42 = tpu.memref_squeeze %dma_wait3A_41 : memref<1x1x640xf32, #tpu.memory_space<hbm>> -> memref<640xf32, #tpu.memory_space<hbm>>
      %dma_wait3A_43 = tpu.memref_slice %arg9[%mul3A_36] : memref<10240xf32, #tpu.memory_space<vmem_shared>> -> memref<640xf32, #tpu.memory_space<vmem_shared>>
      tpu.wait_dma2 semaphore(%run_scoped3A_38 : memref<!tpu.dma_semaphore, #tpu.memory_space<semaphore_mem>>) src(%dma_wait3A_43 : memref<640xf32, #tpu.memory_space<vmem_shared>>) dst(%dma_wait3A_42 : memref<640xf32, #tpu.memory_space<hbm>>)
      tpu.yield
    }) : () -> ()
    %run_scoped3A_37 = arith.constant 1 : i32
    "tpu.region"() ({
      %run_scoped3A_38 = tpu.sem_alloc : memref<!tpu.dma_semaphore, #tpu.memory_space<semaphore_mem>>
      %dma_start3A = tpu.memref_slice %arg4[%run_scoped3A_37, %arg0, %mul3A_36] : memref<2x2x10240xf32, #tpu.memory_space<hbm>> -> memref<1x1x640xf32, #tpu.memory_space<hbm>>
      %dma_start3A_39 = tpu.memref_squeeze %dma_start3A : memref<1x1x640xf32, #tpu.memory_space<hbm>> -> memref<640xf32, #tpu.memory_space<hbm>>
      %dma_start3A_40 = tpu.memref_slice %arg10[%mul3A_36] : memref<10240xf32, #tpu.memory_space<vmem_shared>> -> memref<640xf32, #tpu.memory_space<vmem_shared>>
      tpu.enqueue_dma source(%dma_start3A_40 : memref<640xf32, #tpu.memory_space<vmem_shared>>) target(%dma_start3A_39 : memref<640xf32, #tpu.memory_space<hbm>>) target_semaphore(%run_scoped3A_38 : memref<!tpu.dma_semaphore, #tpu.memory_space<semaphore_mem>>)
      %dma_wait3A_41 = tpu.memref_slice %arg4[%run_scoped3A_37, %arg0, %mul3A_36] : memref<2x2x10240xf32, #tpu.memory_space<hbm>> -> memref<1x1x640xf32, #tpu.memory_space<hbm>>
      %dma_wait3A_42 = tpu.memref_squeeze %dma_wait3A_41 : memref<1x1x640xf32, #tpu.memory_space<hbm>> -> memref<640xf32, #tpu.memory_space<hbm>>
      %dma_wait3A_43 = tpu.memref_slice %arg10[%mul3A_36] : memref<10240xf32, #tpu.memory_space<vmem_shared>> -> memref<640xf32, #tpu.memory_space<vmem_shared>>
      tpu.wait_dma2 semaphore(%run_scoped3A_38 : memref<!tpu.dma_semaphore, #tpu.memory_space<semaphore_mem>>) src(%dma_wait3A_43 : memref<640xf32, #tpu.memory_space<vmem_shared>>) dst(%dma_wait3A_42 : memref<640xf32, #tpu.memory_space<hbm>>)
      tpu.yield
    }) : () -> ()
    return
  }
}

#map = affine_map<(d0, d1) -> (0, 0)>
#map1 = affine_map<(d0, d1) -> (0, 0, 0)>
module attributes {stable_mosaic.version = 14 : i64} {
  func.func @agg128(%arg0: i32, %arg1: i32, %arg2: memref<10240x128xf32, #tpu.memory_space<hbm>>, %arg3: memref<32x80x128xi32, #tpu.memory_space<hbm>>, %arg4: memref<32x80x128xi32, #tpu.memory_space<hbm>>, %arg5: memref<2x10240x128xf32, #tpu.memory_space<hbm>>, %arg6: memref<80x128xi32, #tpu.memory_space<vmem>>, %arg7: memref<80x128xi32, #tpu.memory_space<vmem>>, %arg8: memref<128x128xf32, #tpu.memory_space<vmem>>, %arg9: memref<16x128xf32, #tpu.memory_space<vmem>>, %arg10: memref<10240x128xf32, #tpu.memory_space<vmem_shared>>, %arg11: memref<!tpu.dma_semaphore, #tpu.memory_space<semaphore_mem>>, %arg12: memref<!tpu.dma_semaphore, #tpu.memory_space<semaphore_mem>>) attributes {dimension_semantics = [#tpu.dimension_semantics<core_parallel>, #tpu.dimension_semantics<subcore_parallel>], iteration_bounds = array<i64: 2, 16>, scalar_prefetch = 0 : i64, scratch_operands = 7 : i64, tpu.core_type = #tpu.core_type<sc_vector_subcore>, window_params = [{transform_indices = #map}, {transform_indices = #map1}, {transform_indices = #map1}, {transform_indices = #map1}]} {
    %mul3A = arith.constant 16 : i32
    %mul3A_0 = arith.muli %arg0, %mul3A : i32
    %add3A = arith.addi %mul3A_0, %arg1 : i32
    "tpu.region"() ({
      %run_scoped3A = tpu.sem_alloc : memref<!tpu.dma_semaphore, #tpu.memory_space<semaphore_mem>>
      %dma_start3A = arith.constant 0 : i32
      %dma_start3A_18 = arith.constant 0 : i32
      %dma_start3A_19 = tpu.memref_slice %arg3[%add3A, %dma_start3A, %dma_start3A_18] : memref<32x80x128xi32, #tpu.memory_space<hbm>> -> memref<1x80x128xi32, #tpu.memory_space<hbm>>
      %dma_start3A_20 = tpu.memref_squeeze %dma_start3A_19 : memref<1x80x128xi32, #tpu.memory_space<hbm>> -> memref<80x128xi32, #tpu.memory_space<hbm>>
      %dma_start3A_21 = arith.constant 0 : i32
      %dma_start3A_22 = arith.constant 0 : i32
      %dma_start3A_23 = tpu.memref_slice %arg3[%add3A, %dma_start3A_21, %dma_start3A_22] : memref<32x80x128xi32, #tpu.memory_space<hbm>> -> memref<1x80x128xi32, #tpu.memory_space<hbm>>
      %dma_start3A_24 = tpu.memref_squeeze %dma_start3A_23 : memref<1x80x128xi32, #tpu.memory_space<hbm>> -> memref<80x128xi32, #tpu.memory_space<hbm>>
      tpu.enqueue_dma source(%dma_start3A_24 : memref<80x128xi32, #tpu.memory_space<hbm>>) target(%arg6 : memref<80x128xi32, #tpu.memory_space<vmem>>) target_semaphore(%run_scoped3A : memref<!tpu.dma_semaphore, #tpu.memory_space<semaphore_mem>>)
      %dma_wait3A = arith.constant 0 : i32
      %dma_wait3A_25 = arith.constant 0 : i32
      %dma_wait3A_26 = tpu.memref_slice %arg3[%add3A, %dma_wait3A, %dma_wait3A_25] : memref<32x80x128xi32, #tpu.memory_space<hbm>> -> memref<1x80x128xi32, #tpu.memory_space<hbm>>
      %dma_wait3A_27 = tpu.memref_squeeze %dma_wait3A_26 : memref<1x80x128xi32, #tpu.memory_space<hbm>> -> memref<80x128xi32, #tpu.memory_space<hbm>>
      %dma_wait3A_28 = arith.constant 0 : i32
      %dma_wait3A_29 = arith.constant 0 : i32
      %dma_wait3A_30 = tpu.memref_slice %arg3[%add3A, %dma_wait3A_28, %dma_wait3A_29] : memref<32x80x128xi32, #tpu.memory_space<hbm>> -> memref<1x80x128xi32, #tpu.memory_space<hbm>>
      %dma_wait3A_31 = tpu.memref_squeeze %dma_wait3A_30 : memref<1x80x128xi32, #tpu.memory_space<hbm>> -> memref<80x128xi32, #tpu.memory_space<hbm>>
      tpu.wait_dma2 semaphore(%run_scoped3A : memref<!tpu.dma_semaphore, #tpu.memory_space<semaphore_mem>>) src(%dma_wait3A_31 : memref<80x128xi32, #tpu.memory_space<hbm>>) dst(%arg6 : memref<80x128xi32, #tpu.memory_space<vmem>>)
      tpu.yield
    }) : () -> ()
    "tpu.region"() ({
      %run_scoped3A = tpu.sem_alloc : memref<!tpu.dma_semaphore, #tpu.memory_space<semaphore_mem>>
      %dma_start3A = arith.constant 0 : i32
      %dma_start3A_18 = arith.constant 0 : i32
      %dma_start3A_19 = tpu.memref_slice %arg4[%add3A, %dma_start3A, %dma_start3A_18] : memref<32x80x128xi32, #tpu.memory_space<hbm>> -> memref<1x80x128xi32, #tpu.memory_space<hbm>>
      %dma_start3A_20 = tpu.memref_squeeze %dma_start3A_19 : memref<1x80x128xi32, #tpu.memory_space<hbm>> -> memref<80x128xi32, #tpu.memory_space<hbm>>
      %dma_start3A_21 = arith.constant 0 : i32
      %dma_start3A_22 = arith.constant 0 : i32
      %dma_start3A_23 = tpu.memref_slice %arg4[%add3A, %dma_start3A_21, %dma_start3A_22] : memref<32x80x128xi32, #tpu.memory_space<hbm>> -> memref<1x80x128xi32, #tpu.memory_space<hbm>>
      %dma_start3A_24 = tpu.memref_squeeze %dma_start3A_23 : memref<1x80x128xi32, #tpu.memory_space<hbm>> -> memref<80x128xi32, #tpu.memory_space<hbm>>
      tpu.enqueue_dma source(%dma_start3A_24 : memref<80x128xi32, #tpu.memory_space<hbm>>) target(%arg7 : memref<80x128xi32, #tpu.memory_space<vmem>>) target_semaphore(%run_scoped3A : memref<!tpu.dma_semaphore, #tpu.memory_space<semaphore_mem>>)
      %dma_wait3A = arith.constant 0 : i32
      %dma_wait3A_25 = arith.constant 0 : i32
      %dma_wait3A_26 = tpu.memref_slice %arg4[%add3A, %dma_wait3A, %dma_wait3A_25] : memref<32x80x128xi32, #tpu.memory_space<hbm>> -> memref<1x80x128xi32, #tpu.memory_space<hbm>>
      %dma_wait3A_27 = tpu.memref_squeeze %dma_wait3A_26 : memref<1x80x128xi32, #tpu.memory_space<hbm>> -> memref<80x128xi32, #tpu.memory_space<hbm>>
      %dma_wait3A_28 = arith.constant 0 : i32
      %dma_wait3A_29 = arith.constant 0 : i32
      %dma_wait3A_30 = tpu.memref_slice %arg4[%add3A, %dma_wait3A_28, %dma_wait3A_29] : memref<32x80x128xi32, #tpu.memory_space<hbm>> -> memref<1x80x128xi32, #tpu.memory_space<hbm>>
      %dma_wait3A_31 = tpu.memref_squeeze %dma_wait3A_30 : memref<1x80x128xi32, #tpu.memory_space<hbm>> -> memref<80x128xi32, #tpu.memory_space<hbm>>
      tpu.wait_dma2 semaphore(%run_scoped3A : memref<!tpu.dma_semaphore, #tpu.memory_space<semaphore_mem>>) src(%dma_wait3A_31 : memref<80x128xi32, #tpu.memory_space<hbm>>) dst(%arg7 : memref<80x128xi32, #tpu.memory_space<vmem>>)
      tpu.yield
    }) : () -> ()
    %scan3A = arith.constant 0 : i32
    %scan3A_1 = arith.constant 128 : i32
    %scan3A_2 = arith.addi %scan3A, %scan3A_1 : i32
    %scan3A_3 = arith.constant 1 : i32
    scf.for %scan3A_18 = %scan3A to %scan3A_2 step %scan3A_3  : i32 {
      %mul3A_19 = arith.constant 1 : i32
      %mul3A_20 = arith.muli %scan3A_18, %mul3A_19 : i32
      %add3A_21 = arith.constant 0 : i32
      %add3A_22 = arith.addi %add3A_21, %mul3A_20 : i32
      %broadcast_in_dim3A = arith.constant 0.000000e+00 : f32
      %broadcast_in_dim3A_23 = vector.broadcast %broadcast_in_dim3A : f32 to vector<16xf32>
      %jit3A = arith.constant 8 : i32
      %div3A = arith.divsi %add3A_22, %jit3A : i32
      %sign3A = arith.constant 0 : i32
      %sign3A_24 = arith.cmpi sgt, %add3A_22, %sign3A : i32
      %sign3A_25 = arith.extui %sign3A_24 : i1 to i32
      %sign3A_26 = arith.constant 0 : i32
      %sign3A_27 = arith.cmpi slt, %add3A_22, %sign3A_26 : i32
      %sign3A_28 = arith.extui %sign3A_27 : i1 to i32
      %sign3A_29 = arith.subi %sign3A_25, %sign3A_28 : i32
      %sign3A_30 = arith.constant 0 : i32
      %sign3A_31 = arith.cmpi sgt, %jit3A, %sign3A_30 : i32
      %sign3A_32 = arith.extui %sign3A_31 : i1 to i32
      %sign3A_33 = arith.constant 0 : i32
      %sign3A_34 = arith.cmpi slt, %jit3A, %sign3A_33 : i32
      %sign3A_35 = arith.extui %sign3A_34 : i1 to i32
      %sign3A_36 = arith.subi %sign3A_32, %sign3A_35 : i32
      %ne3A = arith.cmpi ne, %sign3A_29, %sign3A_36 : i32
      %rem3A = arith.remsi %add3A_22, %jit3A : i32
      %ne3A_37 = arith.constant 0 : i32
      %ne3A_38 = arith.cmpi ne, %rem3A, %ne3A_37 : i32
      %and3A = arith.andi %ne3A, %ne3A_38 : i1
      %sub3A = arith.constant 1 : i32
      %sub3A_39 = arith.subi %div3A, %sub3A : i32
      %select_n3A = arith.select %and3A, %sub3A_39, %div3A : i32
      %jit3A_40 = arith.constant 8 : i32
      %eq3A = arith.constant 0 : i32
      %eq3A_41 = arith.cmpi eq, %jit3A_40, %eq3A : i32
      %jit3A_42 = arith.constant 1 : i32
      %select_n3A_43 = arith.select %eq3A_41, %jit3A_42, %jit3A_40 : i32
      %rem3A_44 = arith.remsi %add3A_22, %select_n3A_43 : i32
      %ne3A_45 = arith.constant 0 : i32
      %ne3A_46 = arith.cmpi ne, %rem3A_44, %ne3A_45 : i32
      %lt3A = arith.constant 0 : i32
      %lt3A_47 = arith.cmpi slt, %rem3A_44, %lt3A : i32
      %lt3A_48 = arith.constant 0 : i32
      %lt3A_49 = arith.cmpi slt, %select_n3A_43, %lt3A_48 : i32
      %ne3A_50 = arith.xori %lt3A_47, %lt3A_49 : i1
      %and3A_51 = arith.andi %ne3A_50, %ne3A_46 : i1
      %add3A_52 = arith.addi %rem3A_44, %select_n3A_43 : i32
      %select_n3A_53 = arith.select %and3A_51, %add3A_52, %rem3A_44 : i32
      %mul3A_54 = arith.constant 16 : i32
      %mul3A_55 = arith.muli %select_n3A_53, %mul3A_54 : i32
      %swap3A = arith.index_cast %select_n3A : i32 to index
      %swap3A_56 = arith.index_cast %mul3A_55 : i32 to index
      %swap3A_57 = tpu.vector_load %arg9[%swap3A, %swap3A_56] {strides = array<i32>} : memref<16x128xf32, #tpu.memory_space<vmem>>, vector<1x16xf32>,
      %swap3A_58 = vector.shape_cast %swap3A_57 : vector<1x16xf32> to vector<16xf32>
      %swap3A_59 = vector.shape_cast %broadcast_in_dim3A_23 : vector<16xf32> to vector<1x16xf32>
      tpu.vector_store %arg9[%swap3A, %swap3A_56], %swap3A_59 {strides = array<i32>} : memref<16x128xf32, #tpu.memory_space<vmem>>, vector<1x16xf32>,
    }
    %scan3A_4 = arith.constant 128 : i32
    %scan3A_5 = arith.constant 0 : i32
    %scan3A_6 = arith.constant 40 : i32
    %scan3A_7 = arith.addi %scan3A_5, %scan3A_6 : i32
    %scan3A_8 = arith.constant 1 : i32
    scf.for %scan3A_18 = %scan3A_5 to %scan3A_7 step %scan3A_8  : i32 {
      %mul3A_19 = arith.constant 1 : i32
      %mul3A_20 = arith.muli %scan3A_18, %mul3A_19 : i32
      %add3A_21 = arith.constant 0 : i32
      %add3A_22 = arith.addi %add3A_21, %mul3A_20 : i32
      %mul3A_23 = arith.constant 640 : i32
      %mul3A_24 = arith.muli %arg1, %mul3A_23 : i32
      %mul3A_25 = arith.constant 16 : i32
      %mul3A_26 = arith.muli %add3A_22, %mul3A_25 : i32
      %add3A_27 = arith.addi %mul3A_24, %mul3A_26 : i32
      "tpu.region"() ({
        %run_scoped3A = tpu.sem_alloc : memref<!tpu.dma_semaphore, #tpu.memory_space<semaphore_mem>>
        %dma_start3A = arith.constant 0 : i32
        %dma_start3A_28 = tpu.memref_slice %arg10[%add3A_27, %dma_start3A] : memref<10240x128xf32, #tpu.memory_space<vmem_shared>> -> memref<16x128xf32, #tpu.memory_space<vmem_shared>>
        %dma_start3A_29 = arith.constant 0 : i32
        %dma_start3A_30 = tpu.memref_slice %arg10[%add3A_27, %dma_start3A_29] : memref<10240x128xf32, #tpu.memory_space<vmem_shared>> -> memref<16x128xf32, #tpu.memory_space<vmem_shared>>
        tpu.enqueue_dma source(%arg9 : memref<16x128xf32, #tpu.memory_space<vmem>>) target(%dma_start3A_30 : memref<16x128xf32, #tpu.memory_space<vmem_shared>>) target_semaphore(%run_scoped3A : memref<!tpu.dma_semaphore, #tpu.memory_space<semaphore_mem>>)
        %dma_wait3A = arith.constant 0 : i32
        %dma_wait3A_31 = tpu.memref_slice %arg10[%add3A_27, %dma_wait3A] : memref<10240x128xf32, #tpu.memory_space<vmem_shared>> -> memref<16x128xf32, #tpu.memory_space<vmem_shared>>
        %dma_wait3A_32 = arith.constant 0 : i32
        %dma_wait3A_33 = tpu.memref_slice %arg10[%add3A_27, %dma_wait3A_32] : memref<10240x128xf32, #tpu.memory_space<vmem_shared>> -> memref<16x128xf32, #tpu.memory_space<vmem_shared>>
        tpu.wait_dma2 semaphore(%run_scoped3A : memref<!tpu.dma_semaphore, #tpu.memory_space<semaphore_mem>>) src(%arg9 : memref<16x128xf32, #tpu.memory_space<vmem>>) dst(%dma_wait3A_33 : memref<16x128xf32, #tpu.memory_space<vmem_shared>>)
        tpu.yield
      }) : () -> ()
    }
    %scan3A_9 = arith.constant 40 : i32
    %barrier3A = arith.constant 0 : index
    tpu.barrier barrier_id(%barrier3A)
    %scan3A_10 = arith.constant 0 : i32
    %scan3A_11 = arith.constant 80 : i32
    %scan3A_12 = arith.addi %scan3A_10, %scan3A_11 : i32
    %scan3A_13 = arith.constant 1 : i32
    scf.for %scan3A_18 = %scan3A_10 to %scan3A_12 step %scan3A_13  : i32 {
      %mul3A_19 = arith.constant 1 : i32
      %mul3A_20 = arith.muli %scan3A_18, %mul3A_19 : i32
      %add3A_21 = arith.constant 0 : i32
      %add3A_22 = arith.addi %add3A_21, %mul3A_20 : i32
      %dma_start3A = arith.constant 0 : i32
      %dma_start3A_23 = tpu.memref_slice %arg6[%add3A_22, %dma_start3A] : memref<80x128xi32, #tpu.memory_space<vmem>> -> memref<1x128xi32, #tpu.memory_space<vmem>>
      %dma_start3A_24 = tpu.memref_squeeze %dma_start3A_23 : memref<1x128xi32, #tpu.memory_space<vmem>> -> memref<128xi32, #tpu.memory_space<vmem>>
      %dma_start3A_25 = arith.constant 0 : i32
      %dma_start3A_26 = arith.constant 0 : i32
      %dma_start3A_27 = tpu.memref_slice %arg2[%dma_start3A_25, %dma_start3A_26] : memref<10240x128xf32, #tpu.memory_space<hbm>> -> memref<10240x128xf32, #tpu.memory_space<hbm>>
      tpu.enqueue_indirect_dma source(%dma_start3A_27 : memref<10240x128xf32, #tpu.memory_space<hbm>>) target(%arg8 : memref<128x128xf32, #tpu.memory_space<vmem>>) offsets(%dma_start3A_24 : memref<128xi32, #tpu.memory_space<vmem>>) semaphore(%arg11 : memref<!tpu.dma_semaphore, #tpu.memory_space<semaphore_mem>>)
      %dma_wait3A = arith.constant 0 : i32
      %dma_wait3A_28 = tpu.memref_slice %arg6[%add3A_22, %dma_wait3A] : memref<80x128xi32, #tpu.memory_space<vmem>> -> memref<1x128xi32, #tpu.memory_space<vmem>>
      %dma_wait3A_29 = tpu.memref_squeeze %dma_wait3A_28 : memref<1x128xi32, #tpu.memory_space<vmem>> -> memref<128xi32, #tpu.memory_space<vmem>>
      %dma_wait3A_30 = arith.constant 0 : i32
      %dma_wait3A_31 = arith.constant 0 : i32
      %dma_wait3A_32 = tpu.memref_slice %arg2[%dma_wait3A_30, %dma_wait3A_31] : memref<10240x128xf32, #tpu.memory_space<hbm>> -> memref<10240x128xf32, #tpu.memory_space<hbm>>
      tpu.wait_indirect_dma semaphore(%arg11 : memref<!tpu.dma_semaphore, #tpu.memory_space<semaphore_mem>>) src(%dma_wait3A_32 : memref<10240x128xf32, #tpu.memory_space<hbm>>) dst(%arg8 : memref<128x128xf32, #tpu.memory_space<vmem>>)
      %dma_start3A_33 = arith.constant 0 : i32
      %dma_start3A_34 = tpu.memref_slice %arg7[%add3A_22, %dma_start3A_33] : memref<80x128xi32, #tpu.memory_space<vmem>> -> memref<1x128xi32, #tpu.memory_space<vmem>>
      %dma_start3A_35 = tpu.memref_squeeze %dma_start3A_34 : memref<1x128xi32, #tpu.memory_space<vmem>> -> memref<128xi32, #tpu.memory_space<vmem>>
      %dma_start3A_36 = arith.constant 0 : i32
      %dma_start3A_37 = arith.constant 0 : i32
      %dma_start3A_38 = tpu.memref_slice %arg10[%dma_start3A_36, %dma_start3A_37] : memref<10240x128xf32, #tpu.memory_space<vmem_shared>> -> memref<10240x128xf32, #tpu.memory_space<vmem_shared>>
      tpu.enqueue_indirect_dma source(%arg8 : memref<128x128xf32, #tpu.memory_space<vmem>>) target(%dma_start3A_38 : memref<10240x128xf32, #tpu.memory_space<vmem_shared>>) offsets(%dma_start3A_35 : memref<128xi32, #tpu.memory_space<vmem>>) semaphore(%arg12 : memref<!tpu.dma_semaphore, #tpu.memory_space<semaphore_mem>>) {add = true}
      %dma_wait3A_39 = arith.constant 0 : i32
      %dma_wait3A_40 = tpu.memref_slice %arg7[%add3A_22, %dma_wait3A_39] : memref<80x128xi32, #tpu.memory_space<vmem>> -> memref<1x128xi32, #tpu.memory_space<vmem>>
      %dma_wait3A_41 = tpu.memref_squeeze %dma_wait3A_40 : memref<1x128xi32, #tpu.memory_space<vmem>> -> memref<128xi32, #tpu.memory_space<vmem>>
      %dma_wait3A_42 = arith.constant 0 : i32
      %dma_wait3A_43 = arith.constant 0 : i32
      %dma_wait3A_44 = tpu.memref_slice %arg10[%dma_wait3A_42, %dma_wait3A_43] : memref<10240x128xf32, #tpu.memory_space<vmem_shared>> -> memref<10240x128xf32, #tpu.memory_space<vmem_shared>>
      tpu.wait_indirect_dma semaphore(%arg12 : memref<!tpu.dma_semaphore, #tpu.memory_space<semaphore_mem>>) src(%arg8 : memref<128x128xf32, #tpu.memory_space<vmem>>) dst(%dma_wait3A_44 : memref<10240x128xf32, #tpu.memory_space<vmem_shared>>)
    }
    %scan3A_14 = arith.constant 80 : i32
    %barrier3A_15 = arith.constant 0 : index
    tpu.barrier barrier_id(%barrier3A_15)
    %mul3A_16 = arith.constant 640 : i32
    %mul3A_17 = arith.muli %arg1, %mul3A_16 : i32
    "tpu.region"() ({
      %run_scoped3A = tpu.sem_alloc : memref<!tpu.dma_semaphore, #tpu.memory_space<semaphore_mem>>
      %dma_start3A = arith.constant 0 : i32
      %dma_start3A_18 = tpu.memref_slice %arg5[%arg0, %mul3A_17, %dma_start3A] : memref<2x10240x128xf32, #tpu.memory_space<hbm>> -> memref<1x640x128xf32, #tpu.memory_space<hbm>>
      %dma_start3A_19 = tpu.memref_squeeze %dma_start3A_18 : memref<1x640x128xf32, #tpu.memory_space<hbm>> -> memref<640x128xf32, #tpu.memory_space<hbm>>
      %dma_start3A_20 = arith.constant 0 : i32
      %dma_start3A_21 = tpu.memref_slice %arg10[%mul3A_17, %dma_start3A_20] : memref<10240x128xf32, #tpu.memory_space<vmem_shared>> -> memref<640x128xf32, #tpu.memory_space<vmem_shared>>
      tpu.enqueue_dma source(%dma_start3A_21 : memref<640x128xf32, #tpu.memory_space<vmem_shared>>) target(%dma_start3A_19 : memref<640x128xf32, #tpu.memory_space<hbm>>) target_semaphore(%run_scoped3A : memref<!tpu.dma_semaphore, #tpu.memory_space<semaphore_mem>>)
      %dma_wait3A = arith.constant 0 : i32
      %dma_wait3A_22 = tpu.memref_slice %arg5[%arg0, %mul3A_17, %dma_wait3A] : memref<2x10240x128xf32, #tpu.memory_space<hbm>> -> memref<1x640x128xf32, #tpu.memory_space<hbm>>
      %dma_wait3A_23 = tpu.memref_squeeze %dma_wait3A_22 : memref<1x640x128xf32, #tpu.memory_space<hbm>> -> memref<640x128xf32, #tpu.memory_space<hbm>>
      %dma_wait3A_24 = arith.constant 0 : i32
      %dma_wait3A_25 = tpu.memref_slice %arg10[%mul3A_17, %dma_wait3A_24] : memref<10240x128xf32, #tpu.memory_space<vmem_shared>> -> memref<640x128xf32, #tpu.memory_space<vmem_shared>>
      tpu.wait_dma2 semaphore(%run_scoped3A : memref<!tpu.dma_semaphore, #tpu.memory_space<semaphore_mem>>) src(%dma_wait3A_25 : memref<640x128xf32, #tpu.memory_space<vmem_shared>>) dst(%dma_wait3A_23 : memref<640x128xf32, #tpu.memory_space<hbm>>)
      tpu.yield
    }) : () -> ()
    return
  }
}

module attributes {stable_mosaic.version = 14 : i64} {
  func.func @body(%arg0: i32, %arg1: memref<2x2x512x1xf32, #tpu.memory_space<vmem>>, %arg2: memref<512x128xf32, #tpu.memory_space<vmem>>, %arg3: memref<512x128xf32, #tpu.memory_space<vmem>>, %arg4: memref<512x1xf32, #tpu.memory_space<vmem>>, %arg5: memref<512x1xf32, #tpu.memory_space<vmem>>) attributes {dimension_semantics = [#tpu.dimension_semantics<arbitrary>], iteration_bounds = array<i64: 20>, scalar_prefetch = 0 : i64, scratch_operands = 0 : i64, tpu.core_type = #tpu.core_type<tc>, window_params = [{transform_indices = @transform_0, window_bounds = array<i64: 2, 2, 512, 1>}, {transform_indices = @transform_1, window_bounds = array<i64: 512, 128>}, {transform_indices = @transform_2, window_bounds = array<i64: 512, 128>}, {transform_indices = @transform_3, window_bounds = array<i64: 512, 1>}, {transform_indices = @transform_4, window_bounds = array<i64: 512, 1>}]} {
    %get3A = arith.constant 0 : index
    %get3A_0 = arith.constant 0 : index
    %get3A_1 = arith.constant 0 : index
    %get3A_2 = arith.constant 0 : index
    %get3A_3 = vector.load %arg1[%get3A, %get3A_0, %get3A_1, %get3A_2] : memref<2x2x512x1xf32, #tpu.memory_space<vmem>>, vector<1x1x512x1xf32>
    %get3A_4 = vector.shape_cast %get3A_3 : vector<1x1x512x1xf32> to vector<512x1xf32>
    %get3A_5 = arith.constant 0 : index
    %get3A_6 = arith.constant 1 : index
    %get3A_7 = arith.constant 0 : index
    %get3A_8 = arith.constant 0 : index
    %get3A_9 = vector.load %arg1[%get3A_5, %get3A_6, %get3A_7, %get3A_8] : memref<2x2x512x1xf32, #tpu.memory_space<vmem>>, vector<1x1x512x1xf32>
    %get3A_10 = vector.shape_cast %get3A_9 : vector<1x1x512x1xf32> to vector<512x1xf32>
    %add3A = arith.addf %get3A_4, %get3A_10 : vector<512x1xf32>
    %get3A_11 = arith.constant 1 : index
    %get3A_12 = arith.constant 0 : index
    %get3A_13 = arith.constant 0 : index
    %get3A_14 = arith.constant 0 : index
    %get3A_15 = vector.load %arg1[%get3A_11, %get3A_12, %get3A_13, %get3A_14] : memref<2x2x512x1xf32, #tpu.memory_space<vmem>>, vector<1x1x512x1xf32>
    %get3A_16 = vector.shape_cast %get3A_15 : vector<1x1x512x1xf32> to vector<512x1xf32>
    %get3A_17 = arith.constant 1 : index
    %get3A_18 = arith.constant 1 : index
    %get3A_19 = arith.constant 0 : index
    %get3A_20 = arith.constant 0 : index
    %get3A_21 = vector.load %arg1[%get3A_17, %get3A_18, %get3A_19, %get3A_20] : memref<2x2x512x1xf32, #tpu.memory_space<vmem>>, vector<1x1x512x1xf32>
    %get3A_22 = vector.shape_cast %get3A_21 : vector<1x1x512x1xf32> to vector<512x1xf32>
    %add3A_23 = arith.addf %get3A_16, %get3A_22 : vector<512x1xf32>
    %gt3A = arith.constant 0.000000e+00 : f32
    %gt3A_24 = vector.broadcast %gt3A : f32 to vector<512x1xf32>
    %gt3A_25 = arith.cmpf ogt, %add3A, %gt3A_24 : vector<512x1xf32>
    %max3A = arith.constant 9.99999996E-13 : f32
    %max3A_26 = vector.broadcast %max3A : f32 to vector<512x1xf32>
    %max3A_27 = arith.maximumf %add3A, %max3A_26 : vector<512x1xf32>
    %rsqrt3A = math.rsqrt %max3A_27 : vector<512x1xf32>
    %jit3A = arith.constant 0.000000e+00 : f32
    %broadcast_in_dim3A = vector.broadcast %jit3A : f32 to vector<512x1xf32>
    %select_n3A = arith.select %gt3A_25, %rsqrt3A, %broadcast_in_dim3A : vector<512x1xi1>, vector<512x1xf32>
    %gt3A_28 = arith.constant 0.000000e+00 : f32
    %gt3A_29 = vector.broadcast %gt3A_28 : f32 to vector<512x1xf32>
    %gt3A_30 = arith.cmpf ogt, %add3A_23, %gt3A_29 : vector<512x1xf32>
    %max3A_31 = arith.constant 9.99999996E-13 : f32
    %max3A_32 = vector.broadcast %max3A_31 : f32 to vector<512x1xf32>
    %max3A_33 = arith.maximumf %add3A_23, %max3A_32 : vector<512x1xf32>
    %rsqrt3A_34 = math.rsqrt %max3A_33 : vector<512x1xf32>
    %jit3A_35 = arith.constant 0.000000e+00 : f32
    %broadcast_in_dim3A_36 = vector.broadcast %jit3A_35 : f32 to vector<512x1xf32>
    %select_n3A_37 = arith.select %gt3A_30, %rsqrt3A_34, %broadcast_in_dim3A_36 : vector<512x1xi1>, vector<512x1xf32>
    %swap3A = arith.constant 0 : index
    %swap3A_38 = arith.constant 0 : index
    %swap3A_39 = vector.load %arg4[%swap3A, %swap3A_38] : memref<512x1xf32, #tpu.memory_space<vmem>>, vector<512x1xf32>
    tpu.vector_store %arg4[%swap3A, %swap3A_38], %select_n3A {strides = array<i32>} : memref<512x1xf32, #tpu.memory_space<vmem>>, vector<512x1xf32>,
    %swap3A_40 = arith.constant 0 : index
    %swap3A_41 = arith.constant 0 : index
    %swap3A_42 = vector.load %arg5[%swap3A_40, %swap3A_41] : memref<512x1xf32, #tpu.memory_space<vmem>>, vector<512x1xf32>
    tpu.vector_store %arg5[%swap3A_40, %swap3A_41], %select_n3A_37 {strides = array<i32>} : memref<512x1xf32, #tpu.memory_space<vmem>>, vector<512x1xf32>,
    %get3A_43 = arith.constant 0 : index
    %get3A_44 = arith.constant 0 : index
    %get3A_45 = vector.load %arg2[%get3A_43, %get3A_44] : memref<512x128xf32, #tpu.memory_space<vmem>>, vector<512x128xf32>
    %mul3A = vector.broadcast %select_n3A : vector<512x1xf32> to vector<512x128xf32>
    %mul3A_46 = arith.mulf %get3A_45, %mul3A : vector<512x128xf32>
    %swap3A_47 = arith.constant 0 : index
    %swap3A_48 = arith.constant 0 : index
    %swap3A_49 = vector.load %arg3[%swap3A_47, %swap3A_48] : memref<512x128xf32, #tpu.memory_space<vmem>>, vector<512x128xf32>
    tpu.vector_store %arg3[%swap3A_47, %swap3A_48], %mul3A_46 {strides = array<i32>} : memref<512x128xf32, #tpu.memory_space<vmem>>, vector<512x128xf32>,
    return
  }
  func.func @transform_0(%arg0: i32) -> (i32, i32, i32, i32) {
    %c0_i32 = arith.constant 0 : i32
    %c0_i32_0 = arith.constant 0 : i32
    %c0_i32_1 = arith.constant 0 : i32
    %c0_i32_2 = arith.constant 0 : i32
    return %c0_i32, %c0_i32_0, %arg0, %c0_i32_1 : i32, i32, i32, i32
  }
  func.func @transform_1(%arg0: i32) -> (i32, i32) {
    %c0_i32 = arith.constant 0 : i32
    %c0_i32_0 = arith.constant 0 : i32
    return %arg0, %c0_i32 : i32, i32
  }
  func.func @transform_2(%arg0: i32) -> (i32, i32) {
    %c0_i32 = arith.constant 0 : i32
    %c0_i32_0 = arith.constant 0 : i32
    return %arg0, %c0_i32 : i32, i32
  }
  func.func @transform_3(%arg0: i32) -> (i32, i32) {
    %c0_i32 = arith.constant 0 : i32
    %c0_i32_0 = arith.constant 0 : i32
    return %arg0, %c0_i32 : i32, i32
  }
  func.func @transform_4(%arg0: i32) -> (i32, i32) {
    %c0_i32 = arith.constant 0 : i32
    %c0_i32_0 = arith.constant 0 : i32
    return %arg0, %c0_i32 : i32, i32
  }
}

module attributes {stable_mosaic.version = 14 : i64} {
  func.func @body(%arg0: i32, %arg1: memref<2x512x128xf32, #tpu.memory_space<vmem>>, %arg2: memref<512x1xf32, #tpu.memory_space<vmem>>, %arg3: memref<512x1xf32, #tpu.memory_space<vmem>>, %arg4: memref<128x256xf32, #tpu.memory_space<vmem>>, %arg5: memref<1x256xf32, #tpu.memory_space<vmem>>, %arg6: memref<256x64xf32, #tpu.memory_space<vmem>>, %arg7: memref<512x64xf32, #tpu.memory_space<vmem>>) attributes {dimension_semantics = [#tpu.dimension_semantics<arbitrary>], iteration_bounds = array<i64: 20>, scalar_prefetch = 0 : i64, scratch_operands = 0 : i64, tpu.core_type = #tpu.core_type<tc>, window_params = [{transform_indices = @transform_0, window_bounds = array<i64: 2, 512, 128>}, {transform_indices = @transform_1, window_bounds = array<i64: 512, 1>}, {transform_indices = @transform_2, window_bounds = array<i64: 512, 1>}, {pipeline_mode = #tpu.pipeline_mode<synchronous>, transform_indices = @transform_3, window_bounds = array<i64: 128, 256>}, {pipeline_mode = #tpu.pipeline_mode<synchronous>, transform_indices = @transform_4, window_bounds = array<i64: 1, 256>}, {pipeline_mode = #tpu.pipeline_mode<synchronous>, transform_indices = @transform_5, window_bounds = array<i64: 256, 64>}, {transform_indices = @transform_6, window_bounds = array<i64: 512, 64>}]} {
    %get3A = arith.constant 0 : index
    %get3A_0 = arith.constant 0 : index
    %get3A_1 = arith.constant 0 : index
    %get3A_2 = vector.load %arg1[%get3A, %get3A_0, %get3A_1] : memref<2x512x128xf32, #tpu.memory_space<vmem>>, vector<1x512x128xf32>
    %get3A_3 = vector.shape_cast %get3A_2 : vector<1x512x128xf32> to vector<512x128xf32>
    %get3A_4 = arith.constant 1 : index
    %get3A_5 = arith.constant 0 : index
    %get3A_6 = arith.constant 0 : index
    %get3A_7 = vector.load %arg1[%get3A_4, %get3A_5, %get3A_6] : memref<2x512x128xf32, #tpu.memory_space<vmem>>, vector<1x512x128xf32>
    %get3A_8 = vector.shape_cast %get3A_7 : vector<1x512x128xf32> to vector<512x128xf32>
    %add3A = arith.addf %get3A_3, %get3A_8 : vector<512x128xf32>
    %get3A_9 = arith.constant 0 : index
    %get3A_10 = arith.constant 0 : index
    %get3A_11 = vector.load %arg2[%get3A_9, %get3A_10] : memref<512x1xf32, #tpu.memory_space<vmem>>, vector<512x1xf32>
    %mul3A = vector.broadcast %get3A_11 : vector<512x1xf32> to vector<512x128xf32>
    %mul3A_12 = arith.mulf %add3A, %mul3A : vector<512x128xf32>
    %get3A_13 = arith.constant 0 : index
    %get3A_14 = arith.constant 0 : index
    %get3A_15 = vector.load %arg4[%get3A_13, %get3A_14] : memref<128x256xf32, #tpu.memory_space<vmem>>, vector<128x256xf32>
    %dot_general3A = arith.constant dense<0.000000e+00> : vector<512x256xf32>
    %dot_general3A_16 = tpu.matmul %mul3A_12, %get3A_15, %dot_general3A {dimension_numbers = #tpu.dot_dimension_numbers<[1], [0], [0], [1], [0, 0, 1, 1], [], []>, transpose_lhs_hint = false} : vector<512x128xf32>, vector<128x256xf32>, vector<512x256xf32> -> vector<512x256xf32>
    %get3A_17 = arith.constant 0 : index
    %get3A_18 = arith.constant 0 : index
    %get3A_19 = vector.load %arg5[%get3A_17, %get3A_18] : memref<1x256xf32, #tpu.memory_space<vmem>>, vector<1x256xf32>
    %add3A_20 = vector.broadcast %get3A_19 : vector<1x256xf32> to vector<512x256xf32>
    %add3A_21 = arith.addf %dot_general3A_16, %add3A_20 : vector<512x256xf32>
    %max3A = arith.constant 0.000000e+00 : f32
    %max3A_22 = vector.broadcast %max3A : f32 to vector<512x256xf32>
    %max3A_23 = arith.maximumf %add3A_21, %max3A_22 : vector<512x256xf32>
    %get3A_24 = arith.constant 0 : index
    %get3A_25 = arith.constant 0 : index
    %get3A_26 = vector.load %arg3[%get3A_24, %get3A_25] : memref<512x1xf32, #tpu.memory_space<vmem>>, vector<512x1xf32>
    %mul3A_27 = vector.broadcast %get3A_26 : vector<512x1xf32> to vector<512x256xf32>
    %mul3A_28 = arith.mulf %max3A_23, %mul3A_27 : vector<512x256xf32>
    %get3A_29 = arith.constant 0 : index
    %get3A_30 = arith.constant 0 : index
    %get3A_31 = vector.load %arg6[%get3A_29, %get3A_30] : memref<256x64xf32, #tpu.memory_space<vmem>>, vector<256x64xf32>
    %dot_general3A_32 = arith.constant dense<0.000000e+00> : vector<512x64xf32>
    %dot_general3A_33 = tpu.matmul %mul3A_28, %get3A_31, %dot_general3A_32 {dimension_numbers = #tpu.dot_dimension_numbers<[1], [0], [0], [1], [0, 0, 1, 1], [], []>, transpose_lhs_hint = false} : vector<512x256xf32>, vector<256x64xf32>, vector<512x64xf32> -> vector<512x64xf32>
    %swap3A = arith.constant 0 : index
    %swap3A_34 = arith.constant 0 : index
    %swap3A_35 = vector.load %arg7[%swap3A, %swap3A_34] : memref<512x64xf32, #tpu.memory_space<vmem>>, vector<512x64xf32>
    tpu.vector_store %arg7[%swap3A, %swap3A_34], %dot_general3A_33 {strides = array<i32>} : memref<512x64xf32, #tpu.memory_space<vmem>>, vector<512x64xf32>,
    return
  }
  func.func @transform_0(%arg0: i32) -> (i32, i32, i32) {
    %c0_i32 = arith.constant 0 : i32
    %c0_i32_0 = arith.constant 0 : i32
    %c0_i32_1 = arith.constant 0 : i32
    return %c0_i32, %arg0, %c0_i32_0 : i32, i32, i32
  }
  func.func @transform_1(%arg0: i32) -> (i32, i32) {
    %c0_i32 = arith.constant 0 : i32
    %c0_i32_0 = arith.constant 0 : i32
    return %arg0, %c0_i32 : i32, i32
  }
  func.func @transform_2(%arg0: i32) -> (i32, i32) {
    %c0_i32 = arith.constant 0 : i32
    %c0_i32_0 = arith.constant 0 : i32
    return %arg0, %c0_i32 : i32, i32
  }
  func.func @transform_3(%arg0: i32) -> (i32, i32) {
    %c0_i32 = arith.constant 0 : i32
    %c0_i32_0 = arith.constant 0 : i32
    %c0_i32_1 = arith.constant 0 : i32
    return %c0_i32, %c0_i32_0 : i32, i32
  }
  func.func @transform_4(%arg0: i32) -> (i32, i32) {
    %c0_i32 = arith.constant 0 : i32
    %c0_i32_0 = arith.constant 0 : i32
    %c0_i32_1 = arith.constant 0 : i32
    return %c0_i32, %c0_i32_0 : i32, i32
  }
  func.func @transform_5(%arg0: i32) -> (i32, i32) {
    %c0_i32 = arith.constant 0 : i32
    %c0_i32_0 = arith.constant 0 : i32
    %c0_i32_1 = arith.constant 0 : i32
    return %c0_i32, %c0_i32_0 : i32, i32
  }
  func.func @transform_6(%arg0: i32) -> (i32, i32) {
    %c0_i32 = arith.constant 0 : i32
    %c0_i32_0 = arith.constant 0 : i32
    return %arg0, %c0_i32 : i32, i32
  }
}

module attributes {stable_mosaic.version = 14 : i64} {
  func.func @body(%arg0: i32, %arg1: memref<2x400x64xf32, #tpu.memory_space<vmem>>, %arg2: memref<400x1xf32, #tpu.memory_space<vmem>>, %arg3: memref<1x64xf32, #tpu.memory_space<vmem>>, %arg4: memref<400x64xf32, #tpu.memory_space<vmem>>) attributes {dimension_semantics = [#tpu.dimension_semantics<arbitrary>], iteration_bounds = array<i64: 25>, scalar_prefetch = 0 : i64, scratch_operands = 0 : i64, tpu.core_type = #tpu.core_type<tc>, window_params = [{transform_indices = @transform_0, window_bounds = array<i64: 2, 400, 64>}, {transform_indices = @transform_1, window_bounds = array<i64: 400, 1>}, {pipeline_mode = #tpu.pipeline_mode<synchronous>, transform_indices = @transform_2, window_bounds = array<i64: 1, 64>}, {transform_indices = @transform_3, window_bounds = array<i64: 400, 64>}]} {
    %get3A = arith.constant 0 : index
    %get3A_0 = arith.constant 0 : index
    %get3A_1 = arith.constant 0 : index
    %get3A_2 = vector.load %arg1[%get3A, %get3A_0, %get3A_1] : memref<2x400x64xf32, #tpu.memory_space<vmem>>, vector<1x400x64xf32>
    %get3A_3 = vector.shape_cast %get3A_2 : vector<1x400x64xf32> to vector<400x64xf32>
    %get3A_4 = arith.constant 1 : index
    %get3A_5 = arith.constant 0 : index
    %get3A_6 = arith.constant 0 : index
    %get3A_7 = vector.load %arg1[%get3A_4, %get3A_5, %get3A_6] : memref<2x400x64xf32, #tpu.memory_space<vmem>>, vector<1x400x64xf32>
    %get3A_8 = vector.shape_cast %get3A_7 : vector<1x400x64xf32> to vector<400x64xf32>
    %add3A = arith.addf %get3A_3, %get3A_8 : vector<400x64xf32>
    %get3A_9 = arith.constant 0 : index
    %get3A_10 = arith.constant 0 : index
    %get3A_11 = vector.load %arg2[%get3A_9, %get3A_10] : memref<400x1xf32, #tpu.memory_space<vmem>>, vector<400x1xf32>
    %mul3A = vector.broadcast %get3A_11 : vector<400x1xf32> to vector<400x64xf32>
    %mul3A_12 = arith.mulf %add3A, %mul3A : vector<400x64xf32>
    %get3A_13 = arith.constant 0 : index
    %get3A_14 = arith.constant 0 : index
    %get3A_15 = vector.load %arg3[%get3A_13, %get3A_14] : memref<1x64xf32, #tpu.memory_space<vmem>>, vector<1x64xf32>
    %add3A_16 = vector.broadcast %get3A_15 : vector<1x64xf32> to vector<400x64xf32>
    %add3A_17 = arith.addf %mul3A_12, %add3A_16 : vector<400x64xf32>
    %swap3A = arith.constant 0 : index
    %swap3A_18 = arith.constant 0 : index
    %swap3A_19 = vector.load %arg4[%swap3A, %swap3A_18] : memref<400x64xf32, #tpu.memory_space<vmem>>, vector<400x64xf32>
    tpu.vector_store %arg4[%swap3A, %swap3A_18], %add3A_17 {strides = array<i32>} : memref<400x64xf32, #tpu.memory_space<vmem>>, vector<400x64xf32>,
    return
  }
  func.func @transform_0(%arg0: i32) -> (i32, i32, i32) {
    %c0_i32 = arith.constant 0 : i32
    %c0_i32_0 = arith.constant 0 : i32
    %c0_i32_1 = arith.constant 0 : i32
    return %c0_i32, %arg0, %c0_i32_0 : i32, i32, i32
  }
  func.func @transform_1(%arg0: i32) -> (i32, i32) {
    %c0_i32 = arith.constant 0 : i32
    %c0_i32_0 = arith.constant 0 : i32
    return %arg0, %c0_i32 : i32, i32
  }
  func.func @transform_2(%arg0: i32) -> (i32, i32) {
    %c0_i32 = arith.constant 0 : i32
    %c0_i32_0 = arith.constant 0 : i32
    %c0_i32_1 = arith.constant 0 : i32
    return %c0_i32, %c0_i32_0 : i32, i32
  }
  func.func @transform_3(%arg0: i32) -> (i32, i32) {
    %c0_i32 = arith.constant 0 : i32
    %c0_i32_0 = arith.constant 0 : i32
    return %arg0, %c0_i32 : i32, i32
  }
}

</mosaic_0001>

<sc_bundles>
// kernel: agg128.3.cloned.1.call-start
scs
__scs_entry_jumppad:
0x0: {  	(pc) =	sbr.rel $0x88, $3  }
0x1: {  	(tag) =	ssettag $0x0;
	lr =	simm.s32 $0x1  }
0x2: {  	[smem:$0x3F9B] =	sst lr;
	_ =	strace $0xD0000000  }
0x3: {  	_ = 	snop  }
0x4: {  	_ = 	snop  }
0x5: {  	_ = 	snop  }
0x6: {  	_ = 	snop  }
0x7: {  	_ = 	snop  }
__scs_overlays_trampoline_lowered:
0x8: {  	[smem:$0x3FAA] =	sst s0  }
0x9: {  	[smem:$0x3FAB] =	sst s1  }
0xa: {  	[smem:$0x3FAC] =	sst s2  }
0xb: {  	[smem:$0x3FAD] =	sst s3  }
0xc: {  	[smem:$0x3FAE] =	sst s4  }
0xd: {  	[smem:$0x3FAF] =	sst s5  }
0xe: {  	[smem:$0x3FB0] =	sst s6  }
0xf: {  	[smem:$0x3FB1] =	sst s7  }
0x10: {  	[smem:$0x3FB2] =	sst s8  }
0x11: {  	[smem:$0x3FB3] =	sst s9;
	s0 =	simm.s32 @!p0 $0x0  }
0x12: {  	s1 =	sld [smem:$0x3F99];
	s0 =	simm.s32 @p0 $0x1  }
0x13: {  	[smem:$0x3FB4] =	sst s0;
	s0 =	simm.s32 @!p1 $0x0  }
0x14: {  	s2 =	sld [smem:$0x3F98];
	s0 =	simm.s32 @p1 $0x1  }
0x15: {  	[smem:$0x3FB5] =	sst s0;
	s0 =	simm.s32 @!p2 $0x0  }
0x16: {  	s3 =	sld [smem:$0x3FDB];
	s0 =	simm.s32 @p2 $0x1  }
0x17: {  	s4 =	simm.s32 $0x1BF5;
	[smem:$0x3FB7] =	sst s0  }
0x18: {  	s0 =	sld [smem:$0x3F9A];
	_ =	swait.ge [sflag:s4], $0x0  }
0x19: {  	s7 =	sld [smem:$0x3F9B]  }
0x1a: {  	s8 =	sadd.s32 $0xFFFFE003, lr  }
0x1b: {  	s9 =	sadd.s32 $0xFFFFFEF7, lr;
	s5 =	simm.s32 $0xFFFFFFFF;
	p2 =	slt.u32 s8, $0xFFFFF086  }
0x1c: {  	p1 =	slt.u32 s9, $0xF7A;
	s5 =	simm.s32 @!p2 $0x0  }
0x1d: {  	s5 =	simm.s32 @p1 $0x1;
	p0 =	seq.s32 s7, s2  }
0x1e: {  	s7 =	smul.u32 @!p0 $0xF7A, s2;
	p2 =	seq.s32 @!p0 s5, $0x0  }
0x1f: {  	s9 =	smul.u32 $0xF7A, s1;
	s8 =	simm.s32 @!p0 $0x1BF5;
	p2 =	por !p2, p0  }
0x20: {  	[sflag:s8] =	ssyncset.s32 @!p0 $0xFFFFF086;
	s6 =	sadd.s32 @!p0 s3, s7;
	s7 =	simm.s32 @!p0 $0x108  }
0x21: {  	s3 =	sadd.s32 s3, s9;
	s6 =	sadd.s32 @!p0 $0x88, s6;
	s7 =	simm.s32 @p2 $0x1082  }
0x22: {  	[simem:s7], [sflag:s8] =	dma.local @!p0 [hbm:s6], $0xF7A  }
0x23: {  	s9 =	sor.u32 $0xD0000000, s2;
	s6 =	simm.s32 $0x108;
	_ =	swait.ge @!p0 [sflag:s8], $0x0  }
0x24: {  	s3 =	sadd.s32 $0x88, s3;
	s6 =	simm.s32 @!p1 $0x1082;
	[sflag:s4] =	ssyncset.s32 $0xFFFFF086  }
0x25: {  	[simem:s6], [sflag:s4] =	dma.local [hbm:s3], $0xF7A  }
0x26: {  	[smem:$0x3F9B] =	sst s1;
	(tag) =	ssettag s2;
	_ =	strace s9  }
0x27: {  	s1 =	sld [smem:$0x3FAB]  }
0x28: {  	s2 =	sld [smem:$0x3FAC]  }
0x29: {  	s4 =	sld [smem:$0x3FAE]  }
0x2a: {  	p0 =	seq.s32 s5, $0x0;
	s5 =	sld [smem:$0x3FAF]  }
0x2b: {  	s6 =	sld [smem:$0x3FB0]  }
0x2c: {  	s7 =	sld [smem:$0x3FB1]  }
0x2d: {  	s3 =	simm.s32 $0x108;
	s8 =	sld [smem:$0x3FB2]  }
0x2e: {  	s3 =	simm.s32 @!p0 $0x1082;
	s9 =	sld [smem:$0x3FB3]  }
0x2f: {  	lr =	sadd.s32 s0, s3;
	s0 =	sld [smem:$0x3FAA]  }
0x30: {  	s3 =	sld [smem:$0x3FAD]  }
0x31: {  	[smem:$0x3FB6] =	sst s10  }
0x32: {  	s10 =	sld [smem:$0x3FB4];
	_ =	sdelay $0x3  }
0x33: {  	p0 =	seq.s32 s10, $0x1;
	s10 =	sld [smem:$0x3FB6];
	_ =	sdelay $0x3  }
0x34: {  	[smem:$0x3FB6] =	sst s10  }
0x35: {  	s10 =	sld [smem:$0x3FB5];
	_ =	sdelay $0x3  }
0x36: {  	p1 =	seq.s32 s10, $0x1;
	s10 =	sld [smem:$0x3FB6];
	_ =	sdelay $0x3  }
0x37: {  	[smem:$0x3FB6] =	sst s10  }
0x38: {  	s10 =	sld [smem:$0x3FB7]  }
0x39: {  	_ = 	snop;
	(pc) =	sbr.ind lr, $3  }
0x3a: {  	_ = 	snop  }
0x3b: {  	_ = 	snop  }
0x3c: {  	p2 =	seq.s32 s10, $0x1;
	s10 =	sld [smem:$0x3FB6]  }
0x3d: {  	_ =	shalt  }
0x3e: {  	_ =	shalt  }
0x3f: {  	_ =	shalt  }
0x40: {  	_ =	shalt  }
0x41: {  	_ =	shalt  }
0x42: {  	_ =	shalt  }
0x43: {  	_ =	shalt  }
0x44: {  	_ =	shalt  }
0x45: {  	_ =	shalt  }
0x46: {  	_ =	shalt  }
0x47: {  	_ =	shalt  }
0x48: {  	_ =	shalt  }
0x49: {  	_ =	shalt  }
0x4a: {  	_ =	shalt  }
0x4b: {  	_ =	shalt  }
0x4c: {  	_ =	shalt  }
0x4d: {  	_ =	shalt  }
0x4e: {  	_ =	shalt  }
0x4f: {  	_ =	shalt  }
0x50: {  	_ =	shalt  }
0x51: {  	_ =	shalt  }
0x52: {  	_ =	shalt  }
0x53: {  	_ =	shalt  }
0x54: {  	_ =	shalt  }
0x55: {  	_ =	shalt  }
0x56: {  	_ =	shalt  }
0x57: {  	_ =	shalt  }
0x58: {  	_ =	shalt  }
0x59: {  	_ =	shalt  }
0x5a: {  	_ =	shalt  }
0x5b: {  	_ =	shalt  }
0x5c: {  	_ =	shalt  }
0x5d: {  	_ =	shalt  }
0x5e: {  	_ =	shalt  }
0x5f: {  	_ =	shalt  }
0x60: {  	_ =	shalt  }
0x61: {  	_ =	shalt  }
0x62: {  	_ =	shalt  }
0x63: {  	_ =	shalt  }
0x64: {  	_ =	shalt  }
0x65: {  	_ =	shalt  }
0x66: {  	_ =	shalt  }
0x67: {  	_ =	shalt  }
0x68: {  	_ =	shalt  }
0x69: {  	_ =	shalt  }
0x6a: {  	_ =	shalt  }
0x6b: {  	_ =	shalt  }
0x6c: {  	_ =	shalt  }
0x6d: {  	_ =	shalt  }
0x6e: {  	_ =	shalt  }
0x6f: {  	_ =	shalt  }
0x70: {  	_ =	shalt  }
0x71: {  	_ =	shalt  }
0x72: {  	_ =	shalt  }
0x73: {  	_ =	shalt  }
0x74: {  	_ =	shalt  }
0x75: {  	_ =	shalt  }
0x76: {  	_ =	shalt  }
0x77: {  	_ =	shalt  }
0x78: {  	_ =	shalt  }
0x79: {  	_ =	shalt  }
0x7a: {  	_ =	shalt  }
0x7b: {  	_ =	shalt  }
0x7c: {  	_ =	shalt  }
0x7d: {  	_ =	shalt  }
0x7e: {  	_ =	shalt  }
0x7f: {  	_ =	shalt  }
0x80: {  	_ =	shalt  }
0x81: {  	_ =	shalt  }
0x82: {  	_ =	shalt  }
0x83: {  	_ =	shalt  }
0x84: {  	_ =	shalt  }
0x85: {  	_ =	shalt  }
0x86: {  	_ =	shalt  }
0x87: {  	_ =	shalt  }
.Lfunc_end0:
.L_simem_size_0:
called_computation.1_lowered:
.L_overlay_start_0:
0x88: {  	s2 =	sld [smem:$0x3FD9]  }
0x89: {  	s3 =	sld [smem:$0x3FFE];
	_ =	sdelay $0x1  }
0x8a: {  	s1 =	srdreg.scid  }
0x8b: {  	s0 =	sand.u32 $0x1, s1  }
0x8c: {  	s17 =	sshll.u32 s0, $0xA;
	s2 =	sadd.s32 s3, s2  }
0x8d: {  	s2 =	sadd.s32 s2, s17  }
0x8e: {  	[smem:$0x3FC2] =	sst s2  }
0x8f: {  	_ = 	snop  }
0x90: {  	s2 =	sld [smem:$0x3FD0];
	(tm) =	ssettm $0x1  }
0x91: {  	s18 =	sld [smem:$0x3FFB];
	_ =	sdelay $0x3  }
0x92: {  	_ =	strace s18  }
0x93: {  	s3 =	sld [smem:$0x3FFC];
	_ =	sdelay $0x3  }
0x94: {  	_ =	strace s3  }
0x95: {  	s3 =	sld [smem:$0x3FFD];
	_ =	sdelay $0x3  }
0x96: {  	_ =	strace s3  }
0x97: {  	_ =	strace $0x8FFFFFFF  }
0x98: {  	s19 =	sld [smem:$0x3FDB];
	_ =	sdelay $0x1  }
0x99: {  	s4 =	simm.s32 $_scs_section_size  }
0x9a: {  	s5 =	simm.s32 $_size__tile_overlayer_lowered;
	s6 =	simm.s32 $_tile_overlayer_lowered  }
0x9b: {  	s22 =	simm.s32 $0x1BFF;
	s21 =	sshll.u32 s6, $0x1;
	s3 =	sadd.s32 s4, s19  }
0x9c: {  	s7 =	simm.s32 $0x0;
	s20 =	sshll.u32 s5, $0x1;
	s5 =	sadd.s32 s21, s3  }
0x9d: {  	[timem:s7], [sflag:s22] =	dma.local [hbm:s5], s20  }
0x9e: {  	_ =	swait.ge [sflag:s22], s20  }
0x9f: {  	s4 =	ssub.s32 $0x0, s20;
	[sflag:s22] =	ssyncset.done $0x0  }
0xa0: {  	[sflag:s22] =	ssyncadd.s32 s4;
	_ =	sdelay $0x1  }
0xa1: {  	s23 =	simm.s32 $0x1B8B  }
0xa2: {  	_ =	swait.ge [sflag:s23], $0x1  }
0xa3: {  	[sflag:s23] =	ssyncset.done $0x0  }
0xa4: {  	s25 =	simm.s32 $0x1B8E;
	s24 =	sld [smem:$0x3FFE];
	[sflag:s23] =	ssyncadd.s32 $0xFFFFFFFF  }
0xa5: {  	s26 =	simm.s32 $execute0_lowered;
	[smem:$0x3FD2] =	sst s25  }
0xa6: {  	s5 =	sshll.u32 s26, $0x1;
	_ =	strace $0x80000049;
	[dreg:$0x1] =	wrdreg $0xFFFFFFFF  }
0xa7: {  	s28 =	simm.s32 $_size_execute0_lowered;
	s3 =	sadd.s32 s3, s5;
	[dreg:$0x0] =	wrdreg $0x0  }
0xa8: {  	s5 =	sshll.u32 s28, $0x1;
	[dreg:$0x2] =	wrdreg s3  }
0xa9: {  	[dreg:$0x3] =	wrdreg s5  }
0xaa: {  	[dreg:$0x4] =	wrdreg $0xC0  }
0xab: {  	_ =	task [dreg:s7], $0x5FFFF  }
0xac: {  	[dreg:$0x1] =	wrdreg $0xFFFFFFFF  }
0xad: {  	[dreg:$0x0] =	wrdreg $0x60  }
0xae: {  	[dreg:$0x2] =	wrdreg s24  }
0xaf: {  	[dreg:$0x3] =	wrdreg s2  }
0xb0: {  	[dreg:$0x4] =	wrdreg $0x98000  }
0xb1: {  	[dreg:$0x5] =	wrdreg $0x9  }
0xb2: {  	_ =	task.clear_ibuf [dreg:s7], $0x6FFFF;
	_ =	strace $0x90000049  }
0xb3: {  	s29 =	simm.s32 $0x9;
	_ =	strace $0x8000004B  }
0xb4: {  	_ =	swait.ge [sflag:s29], $0x1  }
0xb5: {  	[sflag:s29] =	ssyncadd.s32 $0xFFFFFFFF  }
0xb6: {  	_ =	strace $0x9000004B  }
0xb7: {  	_ =	sfence  }
0xb8: {  	s30 =	sld [smem:$0x0];
	_ =	sdelay $0x2  }
0xb9: {  	s31 =	sshll.u32 s1, $0xD;
	s1 =	sshrl.u32 s1, $0x2  }
0xba: {  	s3 =	sand.u32 $0x4000, s31;
	s1 =	sadd.s32 s1, s30  }
0xbb: {  	s0 =	sor.u32 s3, s0;
	s1 =	sshll.u32 s1, $0x11  }
0xbc: {  	s0 =	sor.u32 s1, s0  }
0xbd: {  	s0 =	sadd.s32 $0x8F2B, s0  }
0xbe: {  	[sflag:s0] =	ssyncadd.remote.s32 $0x1  }
0xbf: {  	_ =	sfence.sel $0xFFFF  }
0xc0: {  	[dreg:$0x0] =	wrdreg $0xFFFFFFFF;
	(pc) =	sbr.abs _section_cstart, $3  }
0xc1: {  	[dreg:$0x1] =	wrdreg $0xFFFFFFFF  }
0xc2: {  	_ =	task.clear_ibuf [dreg:s7], $0x2FFFF;
	_ =	strace $0x9FFFFFFF  }
0xc3: {  	(tm) =	ssettm $0x7FFFFFFF  }
tec
execute0_lowered:
.L_overlay_start_1:
0x0: {  	(tag) =	ssettag $0x1  }
0x1: {  	s5 =	rddreg [dreg:$0x0]  }
0x2: {  	s6 =	rddreg [dreg:$0x1]  }
0x3: {  	s1 =	rddreg [dreg:$0x2]  }
0x4: {  	s2 =	srdreg.scid;
	s0 =	rddreg [dreg:$0x3];
	s3 =	simm.s32 $0x0  }
0x5: {  	s14 =	simm.s32 $0x5000;
	s15 =	simm.s32 $0x1;
	s16 =	simm.s32 $0x2  }
0x6: {  	s19 =	simm.s32 $0x0;
	s7 =	sand.u32 $0x1, s2;
	s2 =	stileid.u32  }
0x7: {  	[smem:$0x7FF] =	sst s3;
	s4 =	sadd.s32 $0xB800, s5;
	s8 =	smul.u32 $0x140000, s7  }
0x8: {  	s9 =	sshll.u32 s7, $0x4;
	s10 =	smul.u32 $0x14000, s2;
	_ =	strace $0x8000004A  }
0x9: {  	s7 =	ssub.s32 $0x2, s7;
	s12 =	smul.u32 $0x50000, s2;
	s17 =	sshll.u32 s2, $0x6  }
0xa: {  	s9 =	sor.u32 s2, s9;
	s11 =	sshrl.u32 s7, $0x1;
	s17 =	sor.u32 $0x1C03, s17  }
0xb: {  	s9 =	smul.u32 $0x500, s9;
	s8 =	sadd.s32 s10, s8;
	s11 =	ssub.s32 s7, s11  }
0xc: {  	s31 =	sshrl.u32 s12, $0x2;
	s18 =	sadd.s32 s10, s1;
	s10 =	simm.s32 $0x3  }
0xd: {  	s12 =	simm.s32 $0x9000;
	s8 =	sshrl.u32 s8, $0x3;
	s7 =	sadd.s32 s31, s1  }
0xe: {  	s18 =	sshrl.u32 s18, $0x3;
	s13 =	sadd.s32 s9, s5;
	s8 =	sadd.s32 s8, s5  }
0xf: {  	s5 =	sadd.s32 s6, s9;
	s9 =	smax.u32 s11, $0x1;
	s11 =	simm.s32 $0x2800  }
0x10: {  	v0 =	vimm.f32 $0.0e+00;
	s6 =	sadd.s32 $0x1800, s13;
	s8 =	sadd.s32 $0x33800, s8;
	s13 =	simm.s32 $0x80  }
.LBB2_1:
0x11: {  	[tilespmem:s3], [sflag:$0x3] =	stream.linear.gather [hbm4b:s5+s3], $0x2800, $0x38;
	[tilespmem:$0x1D800] =	vst v63  }
0x12: {  	_ =	swait.ge [sflag:s10], $0x2800  }
0x13: {  	[sflag:s10] =	ssyncset.done $0x0  }
0x14: {  	[sflag:s10] =	ssyncadd.s32 $0xFFFFD800  }
0x15: {  	[tilespmem:s11], [sflag:$0x3] =	stream.linear.gather [hbm4b:s6+s3], $0x2800, $0x38;
	[tilespmem:$0x1D800] =	vst v63  }
0x16: {  	_ =	swait.ge [sflag:s10], $0x2800  }
0x17: {  	[sflag:s10] =	ssyncset.done $0x0  }
0x18: {  	s20 =	simm.s32 $0x0;
	s21 =	simm.s32 $0x0;
	[sflag:s10] =	ssyncadd.s32 $0xFFFFD800  }
.LBB2_2:
0x19: {  	p0 =	sne.s32 s21, $0x1FC0  }
.Ltmp0:
0x1a: {  	_ = 	snop;
	(pc) =	sbr.rel @p0 .LBB2_2-.Ltmp0, $4  }
0x1b: {  	s22 =	sand.u32 $0x1E00, s21  }
0x1c: {  	s23 =	sand.u32 $0x70, s20;
	s22 =	sshrl.u32 s22, $0x2  }
0x1d: {  	s22 =	sor.u32 s23, s22  }
0x1e: {  	s20 =	sadd.s32 $0x10, s20;
	s21 =	sadd.s32 $0x40, s21;
	[tilespmem:s22+$0x9000] =	vst v0  }
0x1f: {  	s20 =	sadd.s32 $0x0, s7  }
0x20: {  	[spmem:s20] =	stream.linear.scatter [tilespmem:s12], [sflag:$0x3], $0x800, $0x38;
	[tilespmem:$0x1D800] =	vst v63  }
0x21: {  	s20 =	simm.s32 $0x2000;
	_ =	swait.ge [sflag:s10], $0x800  }
.LBB2_4:
0x22: {  	s21 =	sshra.s32 s20, $0x2;
	[sflag:s10] =	ssyncset.done $0x0;
	p0 =	sne.s32 s20, $0x4E000  }
.Ltmp1:
0x23: {  	s21 =	sadd.s32 s21, s7;
	[sflag:s10] =	ssyncadd.s32 $0xFFFFF800;
	(pc) =	sbr.rel @p0 .LBB2_4-.Ltmp1, $3  }
0x24: {  	[spmem:s21] =	stream.linear.scatter [tilespmem:s12], [sflag:$0x3], $0x800, $0x38;
	[tilespmem:$0x1D800] =	vst v63  }
0x25: {  	s20 =	sadd.s32 $0x2000, s20;
	_ =	sdelay $0x1  }
0x26: {  	_ =	swait.ge [sflag:s10], $0x800  }
0x27: {  	[sflag:s10] =	ssyncset.done $0x0  }
0x28: {  	[sflag:s10] =	ssyncadd.s32 $0xFFFFF800  }
0x29: {  	s20 =	simm.s32 $0x0;
	[bflag:$0x0] =	sbarrier.arrive $0xFFFF  }
0x2a: {  	[tilespmem:s14], [sflag:$0x1] =	stream.indirect.gather [hbm4b:s4+s13], $0x80, s20, s13, $0xb8;
	[tilespmem:$0x1D800] =	vst v63  }
0x2b: {  	_ =	swait.ge [sflag:s15], $0x4000  }
0x2c: {  	[sflag:s15] =	ssyncset.done $0x0  }
0x2d: {  	s31 =	simm.s32 $0x2800;
	[sflag:s15] =	ssyncadd.s32 $0xFFFFC000  }
0x2e: {  	[spmem:s1] =	stream.indirect.scatter.add.f32 [tilespmem:s14], [sflag:$0x2], $0x80, s31, s13, $0xb8;
	[tilespmem:$0x1D800] =	vst v63  }
0x2f: {  	_ =	swait.ge [sflag:s16], $0x4000  }
0x30: {  	s21 =	simm.s32 $0x400;
	s20 =	simm.s32 $0x200;
	[sflag:s16] =	ssyncset.done $0x0  }
.LBB2_6:
0x31: {  	s22 =	sshra.s32 s20, $0x2  }
0x32: {  	[sflag:s16] =	ssyncadd.s32 $0xFFFFC000;
	s20 =	smov.u32 s21;
	s23 =	sadd.s32 $0x200, s21  }
0x33: {  	[tilespmem:s14], [sflag:$0x1] =	stream.indirect.gather [hbm4b:s4+s13], $0x80, s22, s13, $0xb8;
	[tilespmem:$0x1D800] =	vst v63  }
0x34: {  	p0 =	sne.s32 s21, $0x9E00;
	_ =	swait.ge [sflag:s15], $0x4000  }
.Ltmp2:
0x35: {  	[sflag:s15] =	ssyncset.done $0x0;
	(pc) =	sbr.rel @p0 .LBB2_6-.Ltmp2, $4  }
0x36: {  	s21 =	sadd.s32 $0x2800, s22;
	[sflag:s15] =	ssyncadd.s32 $0xFFFFC000  }
0x37: {  	[spmem:s1] =	stream.indirect.scatter.add.f32 [tilespmem:s14], [sflag:$0x2], $0x80, s21, s13, $0xb8;
	[tilespmem:$0x1D800] =	vst v63  }
0x38: {  	_ =	swait.ge [sflag:s16], $0x4000  }
0x39: {  	s21 =	smov.u32 s23;
	[sflag:s16] =	ssyncset.done $0x0  }
0x3a: {  	s20 =	sshra.s32 s20, $0x2;
	[sflag:s16] =	ssyncadd.s32 $0xFFFFC000  }
0x3b: {  	[tilespmem:s14], [sflag:$0x1] =	stream.indirect.gather [hbm4b:s4+s13], $0x80, s20, s13, $0xb8;
	[tilespmem:$0x1D800] =	vst v63  }
0x3c: {  	_ =	swait.ge [sflag:s15], $0x4000  }
0x3d: {  	[sflag:s15] =	ssyncset.done $0x0  }
0x3e: {  	s20 =	sadd.s32 $0x2800, s20;
	[sflag:s15] =	ssyncadd.s32 $0xFFFFC000  }
0x3f: {  	[spmem:s1] =	stream.indirect.scatter.add.f32 [tilespmem:s14], [sflag:$0x2], $0x80, s20, s13, $0xb8;
	[tilespmem:$0x1D800] =	vst v63  }
0x40: {  	_ =	swait.ge [sflag:s16], $0x4000  }
0x41: {  	s19 =	sadd.s32 $0x1, s19;
	[sflag:s16] =	ssyncset.done $0x0  }
0x42: {  	p0 =	sne.s32 s19, s9;
	[sflag:s16] =	ssyncadd.s32 $0xFFFFC000  }
.Ltmp3:
0x43: {  	[bflag:$0x0] =	sbarrier.arrive $0xFFFF;
	(pc) =	sbr.rel @p0 .LBB2_1-.Ltmp3, $4  }
0x44: {  	[hbm:s8], [sflag:s17] =	dma.local [spmem:s18], $0x2800  }
0x45: {  	_ =	swait.ge [sflag:s10], $0x2800  }
0x46: {  	[sflag:s10] =	ssyncset.done $0x0  }
0x47: {  	[sflag:s10] =	ssyncadd.s32 $0xFFFFD800  }
0x48: {  	_ =	sfence.sel $0x180000  }
0x49: {  	[bflag:$0x0] =	sbarrier.arrive $0xFFFF  }
0x4a: {  	p0 =	sne.s32 s2, $0x0;
	_ =	strace $0x9000004A  }
0x4b: {  	s0 =	sadd.s32 @!p0 $0x100000, s0;
	[bflag:$0x2] =	sbarrier.arrive $0xFFFF  }
0x4c: {  	[sflag:s0] =	ssyncadd.tile.s32 @!p0 $0x1;
	_ =	shalt  }
.Lfunc_end2:
_tile_overlayer_lowered:
.L_overlay_start_2:
0x4d: {  	(tag) =	ssettag $0x2  }
0x4e: {  	s0 =	rddreg [dreg:$0x0];
	s2 =	stileid.u32  }
0x4f: {  	s1 =	rddreg [dreg:$0x1];
	p0 =	sne.s32 s2, $0x0  }
0x50: {  	s3 =	rddreg [dreg:$0x2];
	[bflag:$0x3] =	sbarrier.arrive $0xFFFF;
	s2 =	simm.s32 @!p0 $0x1C03  }
0x51: {  	[timem:s3], [sflag:s2] =	dma.local @!p0 [hbm:s0], s1  }
0x52: {  	s0 =	simm.s32 @!p0 $0x3  }
0x53: {  	_ =	swait.ge @!p0 [sflag:s0], s1  }
0x54: {  	s1 =	ssub.s32 @!p0 $0x0, s1;
	[sflag:s0] =	ssyncset.done @!p0 $0x0  }
0x55: {  	[sflag:s0] =	ssyncadd.s32 @!p0 s1  }
0x56: {  	[bflag:$0x3] =	sbarrier.arrive $0xFFFF  }
0x57: {  	_ =	shalt  }

// kernel: agg64.3.cloned.1.call-start
scs
__scs_entry_jumppad:
0x0: {  	(pc) =	sbr.rel $0x88, $3  }
0x1: {  	(tag) =	ssettag $0x0;
	lr =	simm.s32 $0x1  }
0x2: {  	[smem:$0x3F9B] =	sst lr;
	_ =	strace $0xD0000000  }
0x3: {  	_ = 	snop  }
0x4: {  	_ = 	snop  }
0x5: {  	_ = 	snop  }
0x6: {  	_ = 	snop  }
0x7: {  	_ = 	snop  }
__scs_overlays_trampoline_lowered:
0x8: {  	[smem:$0x3FAA] =	sst s0  }
0x9: {  	[smem:$0x3FAB] =	sst s1  }
0xa: {  	[smem:$0x3FAC] =	sst s2  }
0xb: {  	[smem:$0x3FAD] =	sst s3  }
0xc: {  	[smem:$0x3FAE] =	sst s4  }
0xd: {  	[smem:$0x3FAF] =	sst s5  }
0xe: {  	[smem:$0x3FB0] =	sst s6  }
0xf: {  	[smem:$0x3FB1] =	sst s7  }
0x10: {  	[smem:$0x3FB2] =	sst s8  }
0x11: {  	[smem:$0x3FB3] =	sst s9;
	s0 =	simm.s32 @!p0 $0x0  }
0x12: {  	s1 =	sld [smem:$0x3F99];
	s0 =	simm.s32 @p0 $0x1  }
0x13: {  	[smem:$0x3FB4] =	sst s0;
	s0 =	simm.s32 @!p1 $0x0  }
0x14: {  	s2 =	sld [smem:$0x3F98];
	s0 =	simm.s32 @p1 $0x1  }
0x15: {  	[smem:$0x3FB5] =	sst s0;
	s0 =	simm.s32 @!p2 $0x0  }
0x16: {  	s3 =	sld [smem:$0x3FDB];
	s0 =	simm.s32 @p2 $0x1  }
0x17: {  	s4 =	simm.s32 $0x1BF5;
	[smem:$0x3FB7] =	sst s0  }
0x18: {  	s0 =	sld [smem:$0x3F9A];
	_ =	swait.ge [sflag:s4], $0x0  }
0x19: {  	s7 =	sld [smem:$0x3F9B]  }
0x1a: {  	s8 =	sadd.s32 $0xFFFFE003, lr  }
0x1b: {  	s9 =	sadd.s32 $0xFFFFFEF7, lr;
	s5 =	simm.s32 $0xFFFFFFFF;
	p2 =	slt.u32 s8, $0xFFFFF086  }
0x1c: {  	p1 =	slt.u32 s9, $0xF7A;
	s5 =	simm.s32 @!p2 $0x0  }
0x1d: {  	s5 =	simm.s32 @p1 $0x1;
	p0 =	seq.s32 s7, s2  }
0x1e: {  	s7 =	smul.u32 @!p0 $0xF7A, s2;
	p2 =	seq.s32 @!p0 s5, $0x0  }
0x1f: {  	s9 =	smul.u32 $0xF7A, s1;
	s8 =	simm.s32 @!p0 $0x1BF5;
	p2 =	por !p2, p0  }
0x20: {  	[sflag:s8] =	ssyncset.s32 @!p0 $0xFFFFF086;
	s6 =	sadd.s32 @!p0 s3, s7;
	s7 =	simm.s32 @!p0 $0x108  }
0x21: {  	s3 =	sadd.s32 s3, s9;
	s6 =	sadd.s32 @!p0 $0x88, s6;
	s7 =	simm.s32 @p2 $0x1082  }
0x22: {  	[simem:s7], [sflag:s8] =	dma.local @!p0 [hbm:s6], $0xF7A  }
0x23: {  	s9 =	sor.u32 $0xD0000000, s2;
	s6 =	simm.s32 $0x108;
	_ =	swait.ge @!p0 [sflag:s8], $0x0  }
0x24: {  	s3 =	sadd.s32 $0x88, s3;
	s6 =	simm.s32 @!p1 $0x1082;
	[sflag:s4] =	ssyncset.s32 $0xFFFFF086  }
0x25: {  	[simem:s6], [sflag:s4] =	dma.local [hbm:s3], $0xF7A  }
0x26: {  	[smem:$0x3F9B] =	sst s1;
	(tag) =	ssettag s2;
	_ =	strace s9  }
0x27: {  	s1 =	sld [smem:$0x3FAB]  }
0x28: {  	s2 =	sld [smem:$0x3FAC]  }
0x29: {  	s4 =	sld [smem:$0x3FAE]  }
0x2a: {  	p0 =	seq.s32 s5, $0x0;
	s5 =	sld [smem:$0x3FAF]  }
0x2b: {  	s6 =	sld [smem:$0x3FB0]  }
0x2c: {  	s7 =	sld [smem:$0x3FB1]  }
0x2d: {  	s3 =	simm.s32 $0x108;
	s8 =	sld [smem:$0x3FB2]  }
0x2e: {  	s3 =	simm.s32 @!p0 $0x1082;
	s9 =	sld [smem:$0x3FB3]  }
0x2f: {  	lr =	sadd.s32 s0, s3;
	s0 =	sld [smem:$0x3FAA]  }
0x30: {  	s3 =	sld [smem:$0x3FAD]  }
0x31: {  	[smem:$0x3FB6] =	sst s10  }
0x32: {  	s10 =	sld [smem:$0x3FB4];
	_ =	sdelay $0x3  }
0x33: {  	p0 =	seq.s32 s10, $0x1;
	s10 =	sld [smem:$0x3FB6];
	_ =	sdelay $0x3  }
0x34: {  	[smem:$0x3FB6] =	sst s10  }
0x35: {  	s10 =	sld [smem:$0x3FB5];
	_ =	sdelay $0x3  }
0x36: {  	p1 =	seq.s32 s10, $0x1;
	s10 =	sld [smem:$0x3FB6];
	_ =	sdelay $0x3  }
0x37: {  	[smem:$0x3FB6] =	sst s10  }
0x38: {  	s10 =	sld [smem:$0x3FB7]  }
0x39: {  	_ = 	snop;
	(pc) =	sbr.ind lr, $3  }
0x3a: {  	_ = 	snop  }
0x3b: {  	_ = 	snop  }
0x3c: {  	p2 =	seq.s32 s10, $0x1;
	s10 =	sld [smem:$0x3FB6]  }
0x3d: {  	_ =	shalt  }
0x3e: {  	_ =	shalt  }
0x3f: {  	_ =	shalt  }
0x40: {  	_ =	shalt  }
0x41: {  	_ =	shalt  }
0x42: {  	_ =	shalt  }
0x43: {  	_ =	shalt  }
0x44: {  	_ =	shalt  }
0x45: {  	_ =	shalt  }
0x46: {  	_ =	shalt  }
0x47: {  	_ =	shalt  }
0x48: {  	_ =	shalt  }
0x49: {  	_ =	shalt  }
0x4a: {  	_ =	shalt  }
0x4b: {  	_ =	shalt  }
0x4c: {  	_ =	shalt  }
0x4d: {  	_ =	shalt  }
0x4e: {  	_ =	shalt  }
0x4f: {  	_ =	shalt  }
0x50: {  	_ =	shalt  }
0x51: {  	_ =	shalt  }
0x52: {  	_ =	shalt  }
0x53: {  	_ =	shalt  }
0x54: {  	_ =	shalt  }
0x55: {  	_ =	shalt  }
0x56: {  	_ =	shalt  }
0x57: {  	_ =	shalt  }
0x58: {  	_ =	shalt  }
0x59: {  	_ =	shalt  }
0x5a: {  	_ =	shalt  }
0x5b: {  	_ =	shalt  }
0x5c: {  	_ =	shalt  }
0x5d: {  	_ =	shalt  }
0x5e: {  	_ =	shalt  }
0x5f: {  	_ =	shalt  }
0x60: {  	_ =	shalt  }
0x61: {  	_ =	shalt  }
0x62: {  	_ =	shalt  }
0x63: {  	_ =	shalt  }
0x64: {  	_ =	shalt  }
0x65: {  	_ =	shalt  }
0x66: {  	_ =	shalt  }
0x67: {  	_ =	shalt  }
0x68: {  	_ =	shalt  }
0x69: {  	_ =	shalt  }
0x6a: {  	_ =	shalt  }
0x6b: {  	_ =	shalt  }
0x6c: {  	_ =	shalt  }
0x6d: {  	_ =	shalt  }
0x6e: {  	_ =	shalt  }
0x6f: {  	_ =	shalt  }
0x70: {  	_ =	shalt  }
0x71: {  	_ =	shalt  }
0x72: {  	_ =	shalt  }
0x73: {  	_ =	shalt  }
0x74: {  	_ =	shalt  }
0x75: {  	_ =	shalt  }
0x76: {  	_ =	shalt  }
0x77: {  	_ =	shalt  }
0x78: {  	_ =	shalt  }
0x79: {  	_ =	shalt  }
0x7a: {  	_ =	shalt  }
0x7b: {  	_ =	shalt  }
0x7c: {  	_ =	shalt  }
0x7d: {  	_ =	shalt  }
0x7e: {  	_ =	shalt  }
0x7f: {  	_ =	shalt  }
0x80: {  	_ =	shalt  }
0x81: {  	_ =	shalt  }
0x82: {  	_ =	shalt  }
0x83: {  	_ =	shalt  }
0x84: {  	_ =	shalt  }
0x85: {  	_ =	shalt  }
0x86: {  	_ =	shalt  }
0x87: {  	_ =	shalt  }
.Lfunc_end0:
.L_simem_size_0:
called_computation.2_lowered:
.L_overlay_start_0:
0x88: {  	s2 =	sld [smem:$0x3FD9]  }
0x89: {  	s3 =	sld [smem:$0x3FFE];
	_ =	sdelay $0x1  }
0x8a: {  	s1 =	srdreg.scid  }
0x8b: {  	s0 =	sand.u32 $0x1, s1  }
0x8c: {  	s17 =	sshll.u32 s0, $0xA;
	s2 =	sadd.s32 s3, s2  }
0x8d: {  	s2 =	sadd.s32 s2, s17  }
0x8e: {  	[smem:$0x3FC2] =	sst s2  }
0x8f: {  	_ = 	snop  }
0x90: {  	s2 =	sld [smem:$0x3FD0];
	(tm) =	ssettm $0x1  }
0x91: {  	s18 =	sld [smem:$0x3FFB];
	_ =	sdelay $0x3  }
0x92: {  	_ =	strace s18  }
0x93: {  	s3 =	sld [smem:$0x3FFC];
	_ =	sdelay $0x3  }
0x94: {  	_ =	strace s3  }
0x95: {  	s3 =	sld [smem:$0x3FFD];
	_ =	sdelay $0x3  }
0x96: {  	_ =	strace s3  }
0x97: {  	_ =	strace $0x8FFFFFFF  }
0x98: {  	s19 =	sld [smem:$0x3FDB];
	_ =	sdelay $0x1  }
0x99: {  	s4 =	simm.s32 $_scs_section_size  }
0x9a: {  	s5 =	simm.s32 $_size__tile_overlayer_lowered;
	s6 =	simm.s32 $_tile_overlayer_lowered  }
0x9b: {  	s22 =	simm.s32 $0x1BFF;
	s21 =	sshll.u32 s6, $0x1;
	s3 =	sadd.s32 s4, s19  }
0x9c: {  	s7 =	simm.s32 $0x0;
	s20 =	sshll.u32 s5, $0x1;
	s5 =	sadd.s32 s21, s3  }
0x9d: {  	[timem:s7], [sflag:s22] =	dma.local [hbm:s5], s20  }
0x9e: {  	_ =	swait.ge [sflag:s22], s20  }
0x9f: {  	s4 =	ssub.s32 $0x0, s20;
	[sflag:s22] =	ssyncset.done $0x0  }
0xa0: {  	[sflag:s22] =	ssyncadd.s32 s4;
	_ =	sdelay $0x1  }
0xa1: {  	s23 =	simm.s32 $0x1B8B  }
0xa2: {  	_ =	swait.ge [sflag:s23], $0x1  }
0xa3: {  	[sflag:s23] =	ssyncset.done $0x0  }
0xa4: {  	s25 =	simm.s32 $0x1B8E;
	s24 =	sld [smem:$0x3FFE];
	[sflag:s23] =	ssyncadd.s32 $0xFFFFFFFF  }
0xa5: {  	s26 =	simm.s32 $execute0_lowered;
	[smem:$0x3FD2] =	sst s25  }
0xa6: {  	s5 =	sshll.u32 s26, $0x1;
	_ =	strace $0x8000004C;
	[dreg:$0x1] =	wrdreg $0xFFFFFFFF  }
0xa7: {  	s28 =	simm.s32 $_size_execute0_lowered;
	s3 =	sadd.s32 s3, s5;
	[dreg:$0x0] =	wrdreg $0x0  }
0xa8: {  	s5 =	sshll.u32 s28, $0x1;
	[dreg:$0x2] =	wrdreg s3  }
0xa9: {  	[dreg:$0x3] =	wrdreg s5  }
0xaa: {  	[dreg:$0x4] =	wrdreg $0xC0  }
0xab: {  	_ =	task [dreg:s7], $0x5FFFF  }
0xac: {  	[dreg:$0x1] =	wrdreg $0xFFFFFFFF  }
0xad: {  	[dreg:$0x0] =	wrdreg $0x60  }
0xae: {  	[dreg:$0x2] =	wrdreg s24  }
0xaf: {  	[dreg:$0x3] =	wrdreg s2  }
0xb0: {  	[dreg:$0x4] =	wrdreg $0x74000  }
0xb1: {  	[dreg:$0x5] =	wrdreg $0x9  }
0xb2: {  	_ =	task.clear_ibuf [dreg:s7], $0x6FFFF;
	_ =	strace $0x9000004C  }
0xb3: {  	s29 =	simm.s32 $0x9;
	_ =	strace $0x8000004E  }
0xb4: {  	_ =	swait.ge [sflag:s29], $0x1  }
0xb5: {  	[sflag:s29] =	ssyncadd.s32 $0xFFFFFFFF  }
0xb6: {  	_ =	strace $0x9000004E  }
0xb7: {  	_ =	sfence  }
0xb8: {  	s30 =	sld [smem:$0x0];
	_ =	sdelay $0x2  }
0xb9: {  	s31 =	sshll.u32 s1, $0xD;
	s1 =	sshrl.u32 s1, $0x2  }
0xba: {  	s3 =	sand.u32 $0x4000, s31;
	s1 =	sadd.s32 s1, s30  }
0xbb: {  	s0 =	sor.u32 s3, s0;
	s1 =	sshll.u32 s1, $0x11  }
0xbc: {  	s0 =	sor.u32 s1, s0  }
0xbd: {  	s0 =	sadd.s32 $0x8F2B, s0  }
0xbe: {  	[sflag:s0] =	ssyncadd.remote.s32 $0x1  }
0xbf: {  	_ =	sfence.sel $0xFFFF  }
0xc0: {  	[dreg:$0x0] =	wrdreg $0xFFFFFFFF;
	(pc) =	sbr.abs _section_cstart, $3  }
0xc1: {  	[dreg:$0x1] =	wrdreg $0xFFFFFFFF  }
0xc2: {  	_ =	task.clear_ibuf [dreg:s7], $0x2FFFF;
	_ =	strace $0x9FFFFFFF  }
0xc3: {  	(tm) =	ssettm $0x7FFFFFFF  }
tec
execute0_lowered:
.L_overlay_start_1:
0x0: {  	(tag) =	ssettag $0x1  }
0x1: {  	s5 =	rddreg [dreg:$0x0]  }
0x2: {  	s6 =	rddreg [dreg:$0x1]  }
0x3: {  	s1 =	rddreg [dreg:$0x2]  }
0x4: {  	s2 =	srdreg.scid;
	s0 =	rddreg [dreg:$0x3];
	s3 =	simm.s32 $0x0  }
0x5: {  	s14 =	simm.s32 $0x5000;
	s15 =	simm.s32 $0x1;
	s16 =	simm.s32 $0x2  }
0x6: {  	s19 =	simm.s32 $0x0;
	s7 =	sand.u32 $0x1, s2;
	s2 =	stileid.u32  }
0x7: {  	[smem:$0x7FF] =	sst s3;
	s4 =	sadd.s32 $0xB800, s5;
	s8 =	smul.u32 $0xA0000, s7  }
0x8: {  	s9 =	sshll.u32 s7, $0x4;
	s10 =	smul.u32 $0xA000, s2;
	_ =	strace $0x8000004D  }
0x9: {  	s7 =	ssub.s32 $0x2, s7;
	s12 =	smul.u32 $0x28000, s2;
	s17 =	sshll.u32 s2, $0x6  }
0xa: {  	s9 =	sor.u32 s2, s9;
	s11 =	sshrl.u32 s7, $0x1;
	s17 =	sor.u32 $0x1C03, s17  }
0xb: {  	s9 =	smul.u32 $0x500, s9;
	s8 =	sadd.s32 s10, s8;
	s11 =	ssub.s32 s7, s11  }
0xc: {  	s31 =	sshrl.u32 s12, $0x2;
	s18 =	sadd.s32 s10, s1;
	s10 =	simm.s32 $0x3  }
0xd: {  	s12 =	simm.s32 $0x7000;
	s8 =	sshrl.u32 s8, $0x3;
	s7 =	sadd.s32 s31, s1  }
0xe: {  	s18 =	sshrl.u32 s18, $0x3;
	s13 =	sadd.s32 s9, s5;
	s8 =	sadd.s32 s8, s5  }
0xf: {  	s5 =	sadd.s32 s6, s9;
	s9 =	smax.u32 s11, $0x1;
	s11 =	simm.s32 $0x2800  }
0x10: {  	v0 =	vimm.f32 $0.0e+00;
	s6 =	sadd.s32 $0x1800, s13;
	s8 =	sadd.s32 $0x1F800, s8;
	s13 =	simm.s32 $0x80  }
.LBB2_1:
0x11: {  	[tilespmem:s3], [sflag:$0x3] =	stream.linear.gather [hbm4b:s5+s3], $0x2800, $0x38;
	[tilespmem:$0x11400] =	vst v63  }
0x12: {  	_ =	swait.ge [sflag:s10], $0x2800  }
0x13: {  	[sflag:s10] =	ssyncset.done $0x0  }
0x14: {  	[sflag:s10] =	ssyncadd.s32 $0xFFFFD800  }
0x15: {  	[tilespmem:s11], [sflag:$0x3] =	stream.linear.gather [hbm4b:s6+s3], $0x2800, $0x38;
	[tilespmem:$0x11400] =	vst v63  }
0x16: {  	_ =	swait.ge [sflag:s10], $0x2800  }
0x17: {  	[sflag:s10] =	ssyncset.done $0x0  }
0x18: {  	s20 =	simm.s32 $0x0;
	s21 =	simm.s32 $0x0;
	[sflag:s10] =	ssyncadd.s32 $0xFFFFD800  }
.LBB2_2:
0x19: {  	p0 =	sne.s32 s21, $0xFC0  }
.Ltmp0:
0x1a: {  	_ = 	snop;
	(pc) =	sbr.rel @p0 .LBB2_2-.Ltmp0, $4  }
0x1b: {  	s22 =	sand.u32 $0xF00, s21  }
0x1c: {  	s23 =	sand.u32 $0x30, s20;
	s22 =	sshrl.u32 s22, $0x2  }
0x1d: {  	s22 =	sor.u32 s23, s22  }
0x1e: {  	s20 =	sadd.s32 $0x10, s20;
	s21 =	sadd.s32 $0x40, s21;
	[tilespmem:s22+$0x7000] =	vst v0  }
0x1f: {  	s20 =	sadd.s32 $0x0, s7  }
0x20: {  	[spmem:s20] =	stream.linear.scatter [tilespmem:s12], [sflag:$0x3], $0x400, $0x38;
	[tilespmem:$0x11400] =	vst v63  }
0x21: {  	s20 =	simm.s32 $0x1000;
	_ =	swait.ge [sflag:s10], $0x400  }
.LBB2_4:
0x22: {  	s21 =	sshra.s32 s20, $0x2;
	[sflag:s10] =	ssyncset.done $0x0;
	p0 =	sne.s32 s20, $0x27000  }
.Ltmp1:
0x23: {  	s21 =	sadd.s32 s21, s7;
	[sflag:s10] =	ssyncadd.s32 $0xFFFFFC00;
	(pc) =	sbr.rel @p0 .LBB2_4-.Ltmp1, $3  }
0x24: {  	[spmem:s21] =	stream.linear.scatter [tilespmem:s12], [sflag:$0x3], $0x400, $0x38;
	[tilespmem:$0x11400] =	vst v63  }
0x25: {  	s20 =	sadd.s32 $0x1000, s20;
	_ =	sdelay $0x1  }
0x26: {  	_ =	swait.ge [sflag:s10], $0x400  }
0x27: {  	[sflag:s10] =	ssyncset.done $0x0  }
0x28: {  	[sflag:s10] =	ssyncadd.s32 $0xFFFFFC00  }
0x29: {  	s20 =	simm.s32 $0x0;
	[bflag:$0x0] =	sbarrier.arrive $0xFFFF  }
0x2a: {  	[tilespmem:s14], [sflag:$0x1] =	stream.indirect.gather [hbm4b:s4+s13], $0x40, s20, s13, $0xb8;
	[tilespmem:$0x11400] =	vst v63  }
0x2b: {  	_ =	swait.ge [sflag:s15], $0x2000  }
0x2c: {  	[sflag:s15] =	ssyncset.done $0x0  }
0x2d: {  	s31 =	simm.s32 $0x2800;
	[sflag:s15] =	ssyncadd.s32 $0xFFFFE000  }
0x2e: {  	[spmem:s1] =	stream.indirect.scatter.add.f32 [tilespmem:s14], [sflag:$0x2], $0x40, s31, s13, $0xb8;
	[tilespmem:$0x11400] =	vst v63  }
0x2f: {  	_ =	swait.ge [sflag:s16], $0x2000  }
0x30: {  	s21 =	simm.s32 $0x400;
	s20 =	simm.s32 $0x200;
	[sflag:s16] =	ssyncset.done $0x0  }
.LBB2_6:
0x31: {  	s22 =	sshra.s32 s20, $0x2  }
0x32: {  	[sflag:s16] =	ssyncadd.s32 $0xFFFFE000;
	s20 =	smov.u32 s21;
	s23 =	sadd.s32 $0x200, s21  }
0x33: {  	[tilespmem:s14], [sflag:$0x1] =	stream.indirect.gather [hbm4b:s4+s13], $0x40, s22, s13, $0xb8;
	[tilespmem:$0x11400] =	vst v63  }
0x34: {  	p0 =	sne.s32 s21, $0x9E00;
	_ =	swait.ge [sflag:s15], $0x2000  }
.Ltmp2:
0x35: {  	[sflag:s15] =	ssyncset.done $0x0;
	(pc) =	sbr.rel @p0 .LBB2_6-.Ltmp2, $4  }
0x36: {  	s21 =	sadd.s32 $0x2800, s22;
	[sflag:s15] =	ssyncadd.s32 $0xFFFFE000  }
0x37: {  	[spmem:s1] =	stream.indirect.scatter.add.f32 [tilespmem:s14], [sflag:$0x2], $0x40, s21, s13, $0xb8;
	[tilespmem:$0x11400] =	vst v63  }
0x38: {  	_ =	swait.ge [sflag:s16], $0x2000  }
0x39: {  	s21 =	smov.u32 s23;
	[sflag:s16] =	ssyncset.done $0x0  }
0x3a: {  	s20 =	sshra.s32 s20, $0x2;
	[sflag:s16] =	ssyncadd.s32 $0xFFFFE000  }
0x3b: {  	[tilespmem:s14], [sflag:$0x1] =	stream.indirect.gather [hbm4b:s4+s13], $0x40, s20, s13, $0xb8;
	[tilespmem:$0x11400] =	vst v63  }
0x3c: {  	_ =	swait.ge [sflag:s15], $0x2000  }
0x3d: {  	[sflag:s15] =	ssyncset.done $0x0  }
0x3e: {  	s20 =	sadd.s32 $0x2800, s20;
	[sflag:s15] =	ssyncadd.s32 $0xFFFFE000  }
0x3f: {  	[spmem:s1] =	stream.indirect.scatter.add.f32 [tilespmem:s14], [sflag:$0x2], $0x40, s20, s13, $0xb8;
	[tilespmem:$0x11400] =	vst v63  }
0x40: {  	_ =	swait.ge [sflag:s16], $0x2000  }
0x41: {  	s19 =	sadd.s32 $0x1, s19;
	[sflag:s16] =	ssyncset.done $0x0  }
0x42: {  	p0 =	sne.s32 s19, s9;
	[sflag:s16] =	ssyncadd.s32 $0xFFFFE000  }
.Ltmp3:
0x43: {  	[bflag:$0x0] =	sbarrier.arrive $0xFFFF;
	(pc) =	sbr.rel @p0 .LBB2_1-.Ltmp3, $4  }
0x44: {  	[hbm:s8], [sflag:s17] =	dma.local [spmem:s18], $0x1400  }
0x45: {  	_ =	swait.ge [sflag:s10], $0x1400  }
0x46: {  	[sflag:s10] =	ssyncset.done $0x0  }
0x47: {  	[sflag:s10] =	ssyncadd.s32 $0xFFFFEC00  }
0x48: {  	_ =	sfence.sel $0x180000  }
0x49: {  	[bflag:$0x0] =	sbarrier.arrive $0xFFFF  }
0x4a: {  	p0 =	sne.s32 s2, $0x0;
	_ =	strace $0x9000004D  }
0x4b: {  	s0 =	sadd.s32 @!p0 $0x100000, s0;
	[bflag:$0x2] =	sbarrier.arrive $0xFFFF  }
0x4c: {  	[sflag:s0] =	ssyncadd.tile.s32 @!p0 $0x1;
	_ =	shalt  }
.Lfunc_end2:
_tile_overlayer_lowered:
.L_overlay_start_2:
0x4d: {  	(tag) =	ssettag $0x2  }
0x4e: {  	s0 =	rddreg [dreg:$0x0];
	s2 =	stileid.u32  }
0x4f: {  	s1 =	rddreg [dreg:$0x1];
	p0 =	sne.s32 s2, $0x0  }
0x50: {  	s3 =	rddreg [dreg:$0x2];
	[bflag:$0x3] =	sbarrier.arrive $0xFFFF;
	s2 =	simm.s32 @!p0 $0x1C03  }
0x51: {  	[timem:s3], [sflag:s2] =	dma.local @!p0 [hbm:s0], s1  }
0x52: {  	s0 =	simm.s32 @!p0 $0x3  }
0x53: {  	_ =	swait.ge @!p0 [sflag:s0], s1  }
0x54: {  	s1 =	ssub.s32 @!p0 $0x0, s1;
	[sflag:s0] =	ssyncset.done @!p0 $0x0  }
0x55: {  	[sflag:s0] =	ssyncadd.s32 @!p0 s1  }
0x56: {  	[bflag:$0x3] =	sbarrier.arrive $0xFFFF  }
0x57: {  	_ =	shalt  }

// kernel: kernel.6.cloned.1.call-start
scs
__scs_entry_jumppad:
0x0: {  	(pc) =	sbr.rel $0x88, $3  }
0x1: {  	(tag) =	ssettag $0x0;
	lr =	simm.s32 $0x1  }
0x2: {  	[smem:$0x3F9B] =	sst lr;
	_ =	strace $0xD0000000  }
0x3: {  	_ = 	snop  }
0x4: {  	_ = 	snop  }
0x5: {  	_ = 	snop  }
0x6: {  	_ = 	snop  }
0x7: {  	_ = 	snop  }
__scs_overlays_trampoline_lowered:
0x8: {  	[smem:$0x3FAA] =	sst s0  }
0x9: {  	[smem:$0x3FAB] =	sst s1  }
0xa: {  	[smem:$0x3FAC] =	sst s2  }
0xb: {  	[smem:$0x3FAD] =	sst s3  }
0xc: {  	[smem:$0x3FAE] =	sst s4  }
0xd: {  	[smem:$0x3FAF] =	sst s5  }
0xe: {  	[smem:$0x3FB0] =	sst s6  }
0xf: {  	[smem:$0x3FB1] =	sst s7  }
0x10: {  	[smem:$0x3FB2] =	sst s8  }
0x11: {  	[smem:$0x3FB3] =	sst s9;
	s0 =	simm.s32 @!p0 $0x0  }
0x12: {  	s1 =	sld [smem:$0x3F99];
	s0 =	simm.s32 @p0 $0x1  }
0x13: {  	[smem:$0x3FB4] =	sst s0;
	s0 =	simm.s32 @!p1 $0x0  }
0x14: {  	s2 =	sld [smem:$0x3F98];
	s0 =	simm.s32 @p1 $0x1  }
0x15: {  	[smem:$0x3FB5] =	sst s0;
	s0 =	simm.s32 @!p2 $0x0  }
0x16: {  	s3 =	sld [smem:$0x3FDB];
	s0 =	simm.s32 @p2 $0x1  }
0x17: {  	s4 =	simm.s32 $0x1BF5;
	[smem:$0x3FB7] =	sst s0  }
0x18: {  	s0 =	sld [smem:$0x3F9A];
	_ =	swait.ge [sflag:s4], $0x0  }
0x19: {  	s7 =	sld [smem:$0x3F9B]  }
0x1a: {  	s8 =	sadd.s32 $0xFFFFE003, lr  }
0x1b: {  	s9 =	sadd.s32 $0xFFFFFEF7, lr;
	s5 =	simm.s32 $0xFFFFFFFF;
	p2 =	slt.u32 s8, $0xFFFFF086  }
0x1c: {  	p1 =	slt.u32 s9, $0xF7A;
	s5 =	simm.s32 @!p2 $0x0  }
0x1d: {  	s5 =	simm.s32 @p1 $0x1;
	p0 =	seq.s32 s7, s2  }
0x1e: {  	s7 =	smul.u32 @!p0 $0xF7A, s2;
	p2 =	seq.s32 @!p0 s5, $0x0  }
0x1f: {  	s9 =	smul.u32 $0xF7A, s1;
	s8 =	simm.s32 @!p0 $0x1BF5;
	p2 =	por !p2, p0  }
0x20: {  	[sflag:s8] =	ssyncset.s32 @!p0 $0xFFFFF086;
	s6 =	sadd.s32 @!p0 s3, s7;
	s7 =	simm.s32 @!p0 $0x108  }
0x21: {  	s3 =	sadd.s32 s3, s9;
	s6 =	sadd.s32 @!p0 $0x88, s6;
	s7 =	simm.s32 @p2 $0x1082  }
0x22: {  	[simem:s7], [sflag:s8] =	dma.local @!p0 [hbm:s6], $0xF7A  }
0x23: {  	s9 =	sor.u32 $0xD0000000, s2;
	s6 =	simm.s32 $0x108;
	_ =	swait.ge @!p0 [sflag:s8], $0x0  }
0x24: {  	s3 =	sadd.s32 $0x88, s3;
	s6 =	simm.s32 @!p1 $0x1082;
	[sflag:s4] =	ssyncset.s32 $0xFFFFF086  }
0x25: {  	[simem:s6], [sflag:s4] =	dma.local [hbm:s3], $0xF7A  }
0x26: {  	[smem:$0x3F9B] =	sst s1;
	(tag) =	ssettag s2;
	_ =	strace s9  }
0x27: {  	s1 =	sld [smem:$0x3FAB]  }
0x28: {  	s2 =	sld [smem:$0x3FAC]  }
0x29: {  	s4 =	sld [smem:$0x3FAE]  }
0x2a: {  	p0 =	seq.s32 s5, $0x0;
	s5 =	sld [smem:$0x3FAF]  }
0x2b: {  	s6 =	sld [smem:$0x3FB0]  }
0x2c: {  	s7 =	sld [smem:$0x3FB1]  }
0x2d: {  	s3 =	simm.s32 $0x108;
	s8 =	sld [smem:$0x3FB2]  }
0x2e: {  	s3 =	simm.s32 @!p0 $0x1082;
	s9 =	sld [smem:$0x3FB3]  }
0x2f: {  	lr =	sadd.s32 s0, s3;
	s0 =	sld [smem:$0x3FAA]  }
0x30: {  	s3 =	sld [smem:$0x3FAD]  }
0x31: {  	[smem:$0x3FB6] =	sst s10  }
0x32: {  	s10 =	sld [smem:$0x3FB4];
	_ =	sdelay $0x3  }
0x33: {  	p0 =	seq.s32 s10, $0x1;
	s10 =	sld [smem:$0x3FB6];
	_ =	sdelay $0x3  }
0x34: {  	[smem:$0x3FB6] =	sst s10  }
0x35: {  	s10 =	sld [smem:$0x3FB5];
	_ =	sdelay $0x3  }
0x36: {  	p1 =	seq.s32 s10, $0x1;
	s10 =	sld [smem:$0x3FB6];
	_ =	sdelay $0x3  }
0x37: {  	[smem:$0x3FB6] =	sst s10  }
0x38: {  	s10 =	sld [smem:$0x3FB7]  }
0x39: {  	_ = 	snop;
	(pc) =	sbr.ind lr, $3  }
0x3a: {  	_ = 	snop  }
0x3b: {  	_ = 	snop  }
0x3c: {  	p2 =	seq.s32 s10, $0x1;
	s10 =	sld [smem:$0x3FB6]  }
0x3d: {  	_ =	shalt  }
0x3e: {  	_ =	shalt  }
0x3f: {  	_ =	shalt  }
0x40: {  	_ =	shalt  }
0x41: {  	_ =	shalt  }
0x42: {  	_ =	shalt  }
0x43: {  	_ =	shalt  }
0x44: {  	_ =	shalt  }
0x45: {  	_ =	shalt  }
0x46: {  	_ =	shalt  }
0x47: {  	_ =	shalt  }
0x48: {  	_ =	shalt  }
0x49: {  	_ =	shalt  }
0x4a: {  	_ =	shalt  }
0x4b: {  	_ =	shalt  }
0x4c: {  	_ =	shalt  }
0x4d: {  	_ =	shalt  }
0x4e: {  	_ =	shalt  }
0x4f: {  	_ =	shalt  }
0x50: {  	_ =	shalt  }
0x51: {  	_ =	shalt  }
0x52: {  	_ =	shalt  }
0x53: {  	_ =	shalt  }
0x54: {  	_ =	shalt  }
0x55: {  	_ =	shalt  }
0x56: {  	_ =	shalt  }
0x57: {  	_ =	shalt  }
0x58: {  	_ =	shalt  }
0x59: {  	_ =	shalt  }
0x5a: {  	_ =	shalt  }
0x5b: {  	_ =	shalt  }
0x5c: {  	_ =	shalt  }
0x5d: {  	_ =	shalt  }
0x5e: {  	_ =	shalt  }
0x5f: {  	_ =	shalt  }
0x60: {  	_ =	shalt  }
0x61: {  	_ =	shalt  }
0x62: {  	_ =	shalt  }
0x63: {  	_ =	shalt  }
0x64: {  	_ =	shalt  }
0x65: {  	_ =	shalt  }
0x66: {  	_ =	shalt  }
0x67: {  	_ =	shalt  }
0x68: {  	_ =	shalt  }
0x69: {  	_ =	shalt  }
0x6a: {  	_ =	shalt  }
0x6b: {  	_ =	shalt  }
0x6c: {  	_ =	shalt  }
0x6d: {  	_ =	shalt  }
0x6e: {  	_ =	shalt  }
0x6f: {  	_ =	shalt  }
0x70: {  	_ =	shalt  }
0x71: {  	_ =	shalt  }
0x72: {  	_ =	shalt  }
0x73: {  	_ =	shalt  }
0x74: {  	_ =	shalt  }
0x75: {  	_ =	shalt  }
0x76: {  	_ =	shalt  }
0x77: {  	_ =	shalt  }
0x78: {  	_ =	shalt  }
0x79: {  	_ =	shalt  }
0x7a: {  	_ =	shalt  }
0x7b: {  	_ =	shalt  }
0x7c: {  	_ =	shalt  }
0x7d: {  	_ =	shalt  }
0x7e: {  	_ =	shalt  }
0x7f: {  	_ =	shalt  }
0x80: {  	_ =	shalt  }
0x81: {  	_ =	shalt  }
0x82: {  	_ =	shalt  }
0x83: {  	_ =	shalt  }
0x84: {  	_ =	shalt  }
0x85: {  	_ =	shalt  }
0x86: {  	_ =	shalt  }
0x87: {  	_ =	shalt  }
.Lfunc_end0:
.L_simem_size_0:
called_computation_lowered:
.L_overlay_start_0:
0x88: {  	s2 =	sld [smem:$0x3FD9]  }
0x89: {  	s3 =	sld [smem:$0x3FFE];
	_ =	sdelay $0x1  }
0x8a: {  	s1 =	srdreg.scid  }
0x8b: {  	s0 =	sand.u32 $0x1, s1  }
0x8c: {  	s17 =	sshll.u32 s0, $0xA;
	s2 =	sadd.s32 s3, s2  }
0x8d: {  	s2 =	sadd.s32 s2, s17  }
0x8e: {  	[smem:$0x3FC2] =	sst s2  }
0x8f: {  	_ = 	snop  }
0x90: {  	s2 =	sld [smem:$0x3FD0];
	(tm) =	ssettm $0x1  }
0x91: {  	s18 =	sld [smem:$0x3FFB];
	_ =	sdelay $0x3  }
0x92: {  	_ =	strace s18  }
0x93: {  	s3 =	sld [smem:$0x3FFC];
	_ =	sdelay $0x3  }
0x94: {  	_ =	strace s3  }
0x95: {  	s3 =	sld [smem:$0x3FFD];
	_ =	sdelay $0x3  }
0x96: {  	_ =	strace s3  }
0x97: {  	_ =	strace $0x8FFFFFFF  }
0x98: {  	s19 =	sld [smem:$0x3FDB];
	_ =	sdelay $0x1  }
0x99: {  	s4 =	simm.s32 $_scs_section_size  }
0x9a: {  	s5 =	simm.s32 $_size__tile_overlayer_lowered;
	s6 =	simm.s32 $_tile_overlayer_lowered  }
0x9b: {  	s22 =	simm.s32 $0x1BFF;
	s21 =	sshll.u32 s6, $0x1;
	s3 =	sadd.s32 s4, s19  }
0x9c: {  	s7 =	simm.s32 $0x0;
	s20 =	sshll.u32 s5, $0x1;
	s5 =	sadd.s32 s21, s3  }
0x9d: {  	[timem:s7], [sflag:s22] =	dma.local [hbm:s5], s20  }
0x9e: {  	_ =	swait.ge [sflag:s22], s20  }
0x9f: {  	s4 =	ssub.s32 $0x0, s20;
	[sflag:s22] =	ssyncset.done $0x0  }
0xa0: {  	[sflag:s22] =	ssyncadd.s32 s4;
	_ =	sdelay $0x1  }
0xa1: {  	s23 =	simm.s32 $0x1B8B  }
0xa2: {  	_ =	swait.ge [sflag:s23], $0x1  }
0xa3: {  	[sflag:s23] =	ssyncset.done $0x0  }
0xa4: {  	s25 =	simm.s32 $0x1B8E;
	s24 =	sld [smem:$0x3FFE];
	[sflag:s23] =	ssyncadd.s32 $0xFFFFFFFF  }
0xa5: {  	s26 =	simm.s32 $execute0_lowered;
	[smem:$0x3FD2] =	sst s25  }
0xa6: {  	s5 =	sshll.u32 s26, $0x1;
	_ =	strace $0x80000046;
	[dreg:$0x1] =	wrdreg $0xFFFFFFFF  }
0xa7: {  	s28 =	simm.s32 $_size_execute0_lowered;
	s3 =	sadd.s32 s3, s5;
	[dreg:$0x0] =	wrdreg $0x0  }
0xa8: {  	s5 =	sshll.u32 s28, $0x1;
	[dreg:$0x2] =	wrdreg s3  }
0xa9: {  	[dreg:$0x3] =	wrdreg s5  }
0xaa: {  	[dreg:$0x4] =	wrdreg $0xC0  }
0xab: {  	_ =	task [dreg:s7], $0x5FFFF  }
0xac: {  	[dreg:$0x1] =	wrdreg $0xFFFFFFFF  }
0xad: {  	[dreg:$0x0] =	wrdreg $0x60  }
0xae: {  	[dreg:$0x2] =	wrdreg s2  }
0xaf: {  	[dreg:$0x3] =	wrdreg s24  }
0xb0: {  	[dreg:$0x4] =	wrdreg $0x53000  }
0xb1: {  	[dreg:$0x5] =	wrdreg $0x55800  }
0xb2: {  	[dreg:$0x6] =	wrdreg $0x9  }
0xb3: {  	_ =	task.clear_ibuf [dreg:s7], $0x7FFFF;
	_ =	strace $0x90000046  }
0xb4: {  	s29 =	simm.s32 $0x9;
	_ =	strace $0x80000048  }
0xb5: {  	_ =	swait.ge [sflag:s29], $0x1  }
0xb6: {  	[sflag:s29] =	ssyncadd.s32 $0xFFFFFFFF  }
0xb7: {  	_ =	strace $0x90000048  }
0xb8: {  	_ =	sfence  }
0xb9: {  	s30 =	sld [smem:$0x0];
	_ =	sdelay $0x2  }
0xba: {  	s31 =	sshll.u32 s1, $0xD;
	s1 =	sshrl.u32 s1, $0x2  }
0xbb: {  	s3 =	sand.u32 $0x4000, s31;
	s1 =	sadd.s32 s1, s30  }
0xbc: {  	s0 =	sor.u32 s3, s0;
	s1 =	sshll.u32 s1, $0x11  }
0xbd: {  	s0 =	sor.u32 s1, s0  }
0xbe: {  	s0 =	sadd.s32 $0x8F2B, s0  }
0xbf: {  	[sflag:s0] =	ssyncadd.remote.s32 $0x1  }
0xc0: {  	_ =	sfence.sel $0xFFFF  }
0xc1: {  	[dreg:$0x0] =	wrdreg $0xFFFFFFFF;
	(pc) =	sbr.abs _section_cstart, $3  }
0xc2: {  	[dreg:$0x1] =	wrdreg $0xFFFFFFFF  }
0xc3: {  	_ =	task.clear_ibuf [dreg:s7], $0x2FFFF;
	_ =	strace $0x9FFFFFFF  }
0xc4: {  	(tm) =	ssettm $0x7FFFFFFF  }
0xc5: {  	_ =	shalt  }
tec
execute0_lowered:
.L_overlay_start_1:
0x0: {  	(tag) =	ssettag $0x1  }
0x1: {  	s5 =	rddreg [dreg:$0x0]  }
0x2: {  	s6 =	rddreg [dreg:$0x1]  }
0x3: {  	s0 =	srdreg.scid;
	s2 =	rddreg [dreg:$0x2]  }
0x4: {  	s3 =	rddreg [dreg:$0x3];
	s4 =	simm.s32 $0x0;
	s14 =	simm.s32 $0x5080  }
0x5: {  	s15 =	simm.s32 $0x80;
	s16 =	simm.s32 $0x5000;
	s17 =	simm.s32 $0x1  }
0x6: {  	s18 =	simm.s32 $0x2;
	s21 =	simm.s32 $0x20;
	s22 =	simm.s32 $0x10  }
0x7: {  	s23 =	simm.s32 $0x0;
	s7 =	sand.u32 $0x1, s0;
	s0 =	stileid.u32  }
0x8: {  	[smem:$0x7FF] =	sst s4;
	s11 =	sadd.s32 $0xB800, s6;
	s12 =	smul.u32 $0x500, s0  }
0x9: {  	s1 =	sshll.u32 s7, $0x4;
	s10 =	ssub.s32 $0x2, s7;
	s28 =	smul.u32 $0x280, s0  }
0xa: {  	s7 =	sshll.u32 s7, $0x7;
	s19 =	sshll.u32 s0, $0x6;
	s8 =	sor.u32 s0, s1  }
0xb: {  	s1 =	rddreg [dreg:$0x4];
	_ =	strace $0x80000047;
	s26 =	sshrl.u32 s10, $0x1  }
0xc: {  	s19 =	sor.u32 $0x1C03, s19;
	s8 =	smul.u32 $0x500, s8;
	s29 =	sor.u32 s7, s12  }
0xd: {  	s13 =	ssub.s32 s10, s26;
	s7 =	sadd.s32 s28, s2;
	s30 =	sshrl.u32 s29, $0x3  }
0xe: {  	s12 =	sadd.s32 $0x5000, s29;
	s20 =	sshrl.u32 s7, $0x3;
	s9 =	sadd.s32 s8, s6  }
0xf: {  	s5 =	sadd.s32 s5, s8;
	s8 =	sadd.s32 s28, s3;
	s31 =	sshrl.u32 s12, $0x3  }
0x10: {  	s12 =	simm.s32 $0x3;
	s6 =	sadd.s32 $0x1800, s9;
	s9 =	sadd.s32 s11, s30  }
0x11: {  	v0 =	vimm.f32 $1.000000000e+00;
	v1 =	vimm.f32 $0.0e+00;
	s10 =	sadd.s32 s11, s31;
	s11 =	smax.u32 s13, $0x1;
	s13 =	simm.s32 $0x2800  }
.LBB2_1:
0x12: {  	[tilespmem:s4], [sflag:$0x3] =	stream.linear.gather [hbm4b:s5+s4], $0x2800, $0x38;
	[tilespmem:$0x5800] =	vst v63  }
0x13: {  	_ =	swait.ge [sflag:s12], $0x2800  }
0x14: {  	[sflag:s12] =	ssyncset.done $0x0  }
0x15: {  	[sflag:s12] =	ssyncadd.s32 $0xFFFFD800  }
0x16: {  	[tilespmem:s13], [sflag:$0x3] =	stream.linear.gather [hbm4b:s6+s4], $0x2800, $0x38;
	[tilespmem:$0x5800] =	vst v63  }
0x17: {  	_ =	swait.ge [sflag:s12], $0x2800  }
0x18: {  	[sflag:s12] =	ssyncset.done $0x0  }
0x19: {  	[sflag:s12] =	ssyncadd.s32 $0xFFFFD800  }
0x1a: {  	[tilespmem:$0x5000] =	vst v0  }
0x1b: {  	[tilespmem:$0x5010] =	vst v0  }
0x1c: {  	[tilespmem:$0x5020] =	vst v0  }
0x1d: {  	[tilespmem:$0x5030] =	vst v0  }
0x1e: {  	[tilespmem:$0x5040] =	vst v0  }
0x1f: {  	[tilespmem:$0x5050] =	vst v0  }
0x20: {  	[tilespmem:$0x5060] =	vst v0  }
0x21: {  	[tilespmem:$0x5070] =	vst v0  }
0x22: {  	[tilespmem:$0x5080] =	vst v1  }
0x23: {  	[tilespmem:$0x5090] =	vst v1  }
0x24: {  	[tilespmem:$0x50A0] =	vst v1  }
0x25: {  	[tilespmem:$0x50B0] =	vst v1  }
0x26: {  	[tilespmem:$0x50C0] =	vst v1  }
0x27: {  	[tilespmem:$0x50D0] =	vst v1  }
0x28: {  	[tilespmem:$0x50E0] =	vst v1  }
0x29: {  	[tilespmem:$0x50F0] =	vst v1  }
0x2a: {  	[tilespmem:$0x5100] =	vst v1  }
0x2b: {  	[tilespmem:$0x5110] =	vst v1  }
0x2c: {  	[tilespmem:$0x5120] =	vst v1  }
0x2d: {  	[tilespmem:$0x5130] =	vst v1  }
0x2e: {  	[tilespmem:$0x5140] =	vst v1  }
0x2f: {  	[tilespmem:$0x5150] =	vst v1  }
0x30: {  	[tilespmem:$0x5160] =	vst v1  }
0x31: {  	[tilespmem:$0x5170] =	vst v1  }
0x32: {  	[tilespmem:$0x5180] =	vst v1  }
0x33: {  	[tilespmem:$0x5190] =	vst v1  }
0x34: {  	[tilespmem:$0x51A0] =	vst v1  }
0x35: {  	[tilespmem:$0x51B0] =	vst v1  }
0x36: {  	[tilespmem:$0x51C0] =	vst v1  }
0x37: {  	[tilespmem:$0x51D0] =	vst v1  }
0x38: {  	[tilespmem:$0x51E0] =	vst v1  }
0x39: {  	[tilespmem:$0x51F0] =	vst v1  }
0x3a: {  	[tilespmem:$0x5200] =	vst v1  }
0x3b: {  	[tilespmem:$0x5210] =	vst v1  }
0x3c: {  	[tilespmem:$0x5220] =	vst v1  }
0x3d: {  	[tilespmem:$0x5230] =	vst v1  }
0x3e: {  	[tilespmem:$0x5240] =	vst v1  }
0x3f: {  	[tilespmem:$0x5250] =	vst v1  }
0x40: {  	[tilespmem:$0x5260] =	vst v1  }
0x41: {  	[tilespmem:$0x5270] =	vst v1  }
0x42: {  	[tilespmem:$0x5280] =	vst v1  }
0x43: {  	[tilespmem:$0x5290] =	vst v1  }
0x44: {  	[tilespmem:$0x52A0] =	vst v1  }
0x45: {  	[tilespmem:$0x52B0] =	vst v1  }
0x46: {  	[tilespmem:$0x52C0] =	vst v1  }
0x47: {  	[tilespmem:$0x52D0] =	vst v1  }
0x48: {  	[tilespmem:$0x52E0] =	vst v1  }
0x49: {  	[tilespmem:$0x52F0] =	vst v1  }
0x4a: {  	[spmem:s7] =	stream.linear.scatter [tilespmem:s14], [sflag:$0x3], $0x280, $0x38;
	[tilespmem:$0x5800] =	vst v63  }
0x4b: {  	_ =	swait.ge [sflag:s12], $0x280  }
0x4c: {  	[sflag:s12] =	ssyncset.done $0x0  }
0x4d: {  	[sflag:s12] =	ssyncadd.s32 $0xFFFFFD80  }
0x4e: {  	[spmem:s8] =	stream.linear.scatter [tilespmem:s14], [sflag:$0x3], $0x280, $0x38;
	[tilespmem:$0x5800] =	vst v63  }
0x4f: {  	_ =	swait.ge [sflag:s12], $0x280  }
0x50: {  	[sflag:s12] =	ssyncset.done $0x0  }
0x51: {  	[sflag:s12] =	ssyncadd.s32 $0xFFFFFD80  }
0x52: {  	s24 =	simm.s32 $0x0;
	[bflag:$0x0] =	sbarrier.arrive $0xFFFF  }
0x53: {  	[spmem:s2] =	stream.indirect.scatter.add.f32 [tilespmem:s16], [sflag:$0x1], $0x1, s24, s15, $0xb8;
	[tilespmem:$0x5800] =	vst v63  }
0x54: {  	s25 =	simm.s32 $0x2800;
	s24 =	simm.s32 $0x200  }
.LBB2_2:
0x55: {  	[spmem:s3] =	stream.indirect.scatter.add.f32 [tilespmem:s16], [sflag:$0x2], $0x1, s25, s15, $0xb8;
	[tilespmem:$0x5800] =	vst v63  }
0x56: {  	s25 =	smov.u32 s24;
	p0 =	sne.s32 s24, $0x9E00  }
.Ltmp0:
0x57: {  	s24 =	sadd.s32 $0x200, s24;
	(pc) =	sbr.rel @p0 .LBB2_2-.Ltmp0, $4  }
0x58: {  	_ = 	snop  }
0x59: {  	s25 =	sshra.s32 s25, $0x2  }
0x5a: {  	[spmem:s2] =	stream.indirect.scatter.add.f32 [tilespmem:s16], [sflag:$0x1], $0x1, s25, s15, $0xb8;
	[tilespmem:$0x5800] =	vst v63  }
0x5b: {  	s25 =	sadd.s32 $0x2800, s25  }
0x5c: {  	[spmem:s3] =	stream.indirect.scatter.add.f32 [tilespmem:s16], [sflag:$0x2], $0x1, s25, s15, $0xb8;
	[tilespmem:$0x5800] =	vst v63  }
0x5d: {  	_ =	swait.ge [sflag:s17], $0x2800  }
0x5e: {  	[sflag:s17] =	ssyncset.done $0x0  }
0x5f: {  	[sflag:s17] =	ssyncadd.s32 $0xFFFFD800  }
0x60: {  	_ =	swait.ge [sflag:s18], $0x2800  }
0x61: {  	[sflag:s18] =	ssyncset.done $0x0  }
0x62: {  	[sflag:s18] =	ssyncadd.s32 $0xFFFFD800  }
0x63: {  	[bflag:$0x0] =	sbarrier.arrive $0xFFFF  }
0x64: {  	[hbm:s9@s21], [sflag:s19] =	dma.strided [spmem:s20@s22], $0x50, s17, $0x10   }
0x65: {  	s23 =	sadd.s32 $0x1, s23;
	_ =	swait.ge [sflag:s12], $0x50  }
0x66: {  	p0 =	sne.s32 s23, s11;
	[sflag:s12] =	ssyncset.done $0x0  }
.Ltmp1:
0x67: {  	s24 =	sshrl.u32 s8, $0x3;
	[sflag:s12] =	ssyncadd.s32 $0xFFFFFFB0;
	(pc) =	sbr.rel @p0 .LBB2_1-.Ltmp1, $4  }
0x68: {  	[hbm:s10@s21], [sflag:s19] =	dma.strided [spmem:s24@s22], $0x50, s17, $0x10   }
0x69: {  	_ =	swait.ge [sflag:s12], $0x50  }
0x6a: {  	[sflag:s12] =	ssyncset.done $0x0  }
0x6b: {  	[sflag:s12] =	ssyncadd.s32 $0xFFFFFFB0  }
0x6c: {  	_ =	sfence.sel $0x180000  }
0x6d: {  	[bflag:$0x0] =	sbarrier.arrive $0xFFFF  }
0x6e: {  	p0 =	sne.s32 s0, $0x0;
	_ =	strace $0x90000047  }
0x6f: {  	s0 =	sadd.s32 @!p0 $0x100000, s1;
	[bflag:$0x2] =	sbarrier.arrive $0xFFFF  }
0x70: {  	[sflag:s0] =	ssyncadd.tile.s32 @!p0 $0x1;
	_ =	shalt  }
.Lfunc_end2:
_tile_overlayer_lowered:
.L_overlay_start_2:
0x71: {  	(tag) =	ssettag $0x2  }
0x72: {  	s0 =	rddreg [dreg:$0x0];
	s2 =	stileid.u32  }
0x73: {  	s1 =	rddreg [dreg:$0x1];
	p0 =	sne.s32 s2, $0x0  }
0x74: {  	s3 =	rddreg [dreg:$0x2];
	[bflag:$0x3] =	sbarrier.arrive $0xFFFF;
	s2 =	simm.s32 @!p0 $0x1C03  }
0x75: {  	[timem:s3], [sflag:s2] =	dma.local @!p0 [hbm:s0], s1  }
0x76: {  	s0 =	simm.s32 @!p0 $0x3  }
0x77: {  	_ =	swait.ge @!p0 [sflag:s0], s1  }
0x78: {  	s1 =	ssub.s32 @!p0 $0x0, s1;
	[sflag:s0] =	ssyncset.done @!p0 $0x0  }
0x79: {  	[sflag:s0] =	ssyncadd.s32 @!p0 s1  }
0x7a: {  	[bflag:$0x3] =	sbarrier.arrive $0xFFFF  }
0x7b: {  	_ =	shalt  }

</sc_bundles>
